<compile_context>
chip_gen: v7x
topology: tpu7x:2x2x1
jax: 0.10.2.dev20260603
libtpu: 0.0.44.dev20260713+nightly
codegen_flags: <defaults>
</compile_context>

<pallas_src>
import functools

import jax
import jax.numpy as jnp
from jax import lax
from jax.experimental import pallas as pl
from jax.experimental.pallas import tpu as pltpu
from jax.experimental.pallas import tpu_sc as plsc



def _knn_body(x_ref, xt_ref, idx_ref):
    C = x_ref.shape[1]
    N = x_ref.shape[2]
    T = xt_ref.shape[1]
    K = idx_ref.shape[2]
    b = pl.program_id(0)

    j = pl.program_id(1)
    xb = x_ref[0]
    xt = xt_ref[0]
    cn = jnp.sum(xb * xb, axis=0, keepdims=True)
    rn = jnp.sum(xt * xt, axis=1, keepdims=True)
    d = jnp.dot(xt * -2.0, xb, preferred_element_type=jnp.float32)

    iot = lax.broadcasted_iota(jnp.int32, (T, N), 1)
    inf = jnp.float32(jnp.inf)
    rowid = lax.broadcasted_iota(jnp.int32, (T, 1), 0) + j * T
    d = jnp.where(iot == rowid, inf, d + rn + cn)

    sels = []
    for i in range(K):
        p = jnp.argmin(d, axis=1).astype(jnp.int32)[:, None]
        sels.append(p)
        if i < K - 1:
            d = jnp.where(iot == p, inf, d)
    idx_ref[0] = jnp.concatenate(sels, axis=1) + b * N


def _knn_indices(x, xt, T=512):
    B, C, N = x.shape
    K = 16
    NT = N // T
    return pl.pallas_call(
        _knn_body,
        grid=(B, NT),
        in_specs=[
            pl.BlockSpec((1, C, N), lambda b, j: (b, 0, 0)),
            pl.BlockSpec((1, T, C), lambda b, j: (b, j, 0)),
        ],
        out_specs=pl.BlockSpec((1, T, K), lambda b, j: (b, j, 0)),
        out_shape=jax.ShapeDtypeStruct((B, N, K), jnp.int32),
        compiler_params=pltpu.CompilerParams(
            dimension_semantics=("parallel", "parallel")
        ),
    )(x, xt)



def _sc_gather(table, gidx):
    V, C = table.shape
    M = gidx.shape[0]
    NW = 32
    MW = M // NW
    CH = 2048
    mesh = plsc.VectorSubcoreMesh(core_axis_name="c", subcore_axis_name="s")

    @functools.partial(
        pl.kernel,
        mesh=mesh,
        out_type=jax.ShapeDtypeStruct((M, C), jnp.float32),
        scratch_types=[
            pltpu.VMEM((CH,), jnp.int32),
            pltpu.VMEM((CH, C), jnp.float32),
            pltpu.SemaphoreType.DMA,
        ],
        compiler_params=pltpu.CompilerParams(use_tc_tiling_on_sc=False),
    )
    def k(table_hbm, gidx_hbm, out_hbm, idx_v, rows_v, sem):
        wid = lax.axis_index("s") * 2 + lax.axis_index("c")
        base = wid * MW
        for ci in range(MW // CH):
            off = base + ci * CH
            pltpu.sync_copy(gidx_hbm.at[pl.ds(off, CH)], idx_v)
            pltpu.async_copy(table_hbm.at[idx_v], rows_v, sem).wait()
            pltpu.sync_copy(rows_v, out_hbm.at[pl.ds(off, CH)])

    return k(table, gidx)



def _conv_body(xt_ref, nb_ref, a_ref, w2_ref, b_ref, out_ref, st_ref):
    o = jnp.dot(xt_ref[0], a_ref[...], preferred_element_type=jnp.float32)
    o = o + jnp.dot(nb_ref[0], w2_ref[...], preferred_element_type=jnp.float32)
    o = o + b_ref[...]
    out_ref[0] = o
    s1 = jnp.sum(o, axis=0, keepdims=True)
    s2 = jnp.sum(o * o, axis=0, keepdims=True)
    st = jnp.concatenate([s1, s2], axis=0)
    first = (pl.program_id(0) == 0) & (pl.program_id(1) == 0)

    @pl.when(first)
    def _():
        st_ref[...] = st

    @pl.when(jnp.logical_not(first))
    def _():
        st_ref[...] = st_ref[...] + st


def _edge_conv_stats(xt, nbrf, a2, w2f, bvec, T=256):
    B, N, C = xt.shape
    KC = nbrf.shape[2]
    F = a2.shape[1]
    NT = N // T
    return pl.pallas_call(
        _conv_body,
        grid=(B, NT),
        in_specs=[
            pl.BlockSpec((1, T, C), lambda b, j: (b, j, 0)),
            pl.BlockSpec((1, T, KC), lambda b, j: (b, j, 0)),
            pl.BlockSpec((C, F), lambda b, j: (0, 0)),
            pl.BlockSpec((KC, F), lambda b, j: (0, 0)),
            pl.BlockSpec((1, F), lambda b, j: (0, 0)),
        ],
        out_specs=[
            pl.BlockSpec((1, T, F), lambda b, j: (b, j, 0)),
            pl.BlockSpec((2, F), lambda b, j: (0, 0)),
        ],
        out_shape=[
            jax.ShapeDtypeStruct((B, N, F), jnp.float32),
            jax.ShapeDtypeStruct((2, F), jnp.float32),
        ],
    )(xt, nbrf, a2, w2f, bvec)



def _norm_body(o_ref, sc_ref, sh_ref, y_ref):
    z = o_ref[0] * sc_ref[...] + sh_ref[...]
    z = jnp.where(z >= 0, z, 0.2 * z)
    y_ref[0] = z.T


def _normalize(out_pre, scale, shift, T=512):
    B, N, F = out_pre.shape
    NT = N // T
    return pl.pallas_call(
        _norm_body,
        grid=(B, NT),
        in_specs=[
            pl.BlockSpec((1, T, F), lambda b, j: (b, j, 0)),
            pl.BlockSpec((1, F), lambda b, j: (0, 0)),
            pl.BlockSpec((1, F), lambda b, j: (0, 0)),
        ],
        out_specs=pl.BlockSpec((1, F, T), lambda b, j: (b, 0, j)),
        out_shape=jax.ShapeDtypeStruct((B, F, N), jnp.float32),
        compiler_params=pltpu.CompilerParams(
            dimension_semantics=("parallel", "parallel")
        ),
    )(out_pre, scale, shift)



def kernel(x, W, b, gamma, beta):
    B, C, N = x.shape
    F = W.shape[0]
    K = W.shape[3]

    xt = jnp.transpose(x, (0, 2, 1))

    gidx = _knn_indices(x, xt)

    table = xt.reshape(B * N, C)
    nbr = _sc_gather(table, gidx.reshape(B * N * K))
    nbrf = nbr.reshape(B, N, K * C)

    w1 = W[:, :C, 0, :]
    w2 = W[:, C:, 0, :]
    a2 = jnp.sum(w1 - w2, axis=2).T
    w2f = jnp.transpose(w2, (2, 1, 0)).reshape(K * C, F)
    bvec = b.reshape(1, F)

    out_pre, stats = _edge_conv_stats(xt, nbrf, a2, w2f, bvec)

    cnt = jnp.float32(B * N)
    mean = stats[0] / cnt
    var = stats[1] / cnt - mean * mean
    scale = gamma / jnp.sqrt(var + 1e-5)
    shift = beta - mean * scale
    return _normalize(out_pre, scale.reshape(1, F), shift.reshape(1, F))

# --- scband reference (transcript-rebuilt; emitter-appended) ---
"""Pipeline reference for scband-generator-85779086836259 (READ-ONLY COPY).

The authoritative reference and input builder live on the scoring server;
editing this copy changes nothing except your own understanding.
"""

import jax, jax.numpy as jnp
import numpy as np

B, C, N, K, F = 4, 32, 4096, 16, 32

def setup_inputs(seed: int = 0) -> dict:
    key = jax.random.key(seed)
    k1, k2 = jax.random.split(key, 2)
    x = jax.random.normal(k1, (B, C, N), dtype=jnp.float32)
    # Conv2d(2*C, F, [1, K]) weights, BatchNorm2d(F) affine params
    W = jax.random.normal(k2, (F, 2 * C, 1, K), dtype=jnp.float32) * (1.0 / np.sqrt(2 * C * K))
    b = jnp.zeros((F,), dtype=jnp.float32)
    gamma = jnp.ones((F,), dtype=jnp.float32)
    beta = jnp.zeros((F,), dtype=jnp.float32)
    return {"x": x, "W": W, "b": b, "gamma": gamma, "beta": beta}

def _knn_idx(x, k):
    # x: [B, C, N]; batched pairwise squared distances like PDGN's get_edge_features
    xt = jnp.transpose(x, (0, 2, 1))                    # [B, N, C]
    xi = -2.0 * jnp.einsum('bnc,bcm->bnm', xt, x)       # [B, N, N]
    xs = jnp.sum(xt ** 2, axis=2, keepdims=True)        # [B, N, 1]
    dist = xi + xs + jnp.transpose(xs, (0, 2, 1))       # [B, N, N]
    idx = jnp.argsort(dist, axis=2)[:, :, 1:k + 1]      # drop self, keep k NN
    return idx

def _edge_conv(x, W, b, gamma, beta):
    Bs, Cs, Ns = x.shape
    Ks = W.shape[3]
    idx = _knn_idx(x, Ks)                               # [B, N, K] (int, non-diff)
    xt = jnp.transpose(x, (0, 2, 1))                    # [B, N, C]
    neighbors = jax.vmap(lambda xb, ib: xb[ib])(xt, idx)  # [B, N, K, C] gather
    neighbors = jnp.transpose(neighbors, (0, 3, 1, 2))  # [B, C, N, K]
    central = jnp.broadcast_to(x[:, :, :, None], (Bs, Cs, Ns, Ks))
    ee = jnp.concatenate([central, neighbors - central], axis=1)  # [B, 2C, N, K]
    # Conv2d with kernel [1, K]: collapses K dim -> [B, F, N]
    out = jnp.einsum('bcnk,fck->bfn', ee, W[:, :, 0, :]) + b[None, :, None]
    # BatchNorm2d (train-mode batch stats, biased variance) on [B, F, N, 1]
    mean = jnp.mean(out, axis=(0, 2), keepdims=True)
    var = jnp.mean((out - mean) ** 2, axis=(0, 2), keepdims=True)
    out = (out - mean) / jnp.sqrt(var + 1e-5)
    out = gamma[None, :, None] * out + beta[None, :, None]
    # LeakyReLU(0.2)
    out = jnp.where(out >= 0, out, 0.2 * out)
    return out

def reference(x, W, b, gamma, beta):
    return _edge_conv(x, W, b, gamma, beta)

if __name__ == "__main__":
    import jax
    _d = setup_inputs()
    print(jax.jit(kernel)(*tuple(_d.values())))

</pallas_src>

<mosaic_0001>
#map = affine_map<(d0, d1) -> (0, 0)>
#map1 = affine_map<(d0, d1) -> (0)>
module attributes {stable_mosaic.version = 14 : i64} {
  func.func @k(%arg0: i32, %arg1: i32, %arg2: memref<16384x32xf32, #tpu.memory_space<hbm>>, %arg3: memref<262144xi32, #tpu.memory_space<hbm>>, %arg4: memref<262144x32xf32, #tpu.memory_space<hbm>>, %arg5: memref<2048xi32, #tpu.memory_space<vmem>>, %arg6: memref<2048x32xf32, #tpu.memory_space<vmem>>, %arg7: memref<!tpu.dma_semaphore, #tpu.memory_space<semaphore_mem>>) attributes {dimension_semantics = [#tpu.dimension_semantics<core_parallel>, #tpu.dimension_semantics<subcore_parallel>], iteration_bounds = array<i64: 2, 16>, scalar_prefetch = 0 : i64, scratch_operands = 3 : i64, tpu.core_type = #tpu.core_type<sc_vector_subcore>, window_params = [{transform_indices = #map}, {transform_indices = #map1}, {transform_indices = #map}]} {
    %mul3A = arith.constant 2 : i32
    %mul3A_0 = arith.muli %arg1, %mul3A : i32
    %add3A = arith.addi %mul3A_0, %arg0 : i32
    %mul3A_1 = arith.constant 8192 : i32
    %mul3A_2 = arith.muli %add3A, %mul3A_1 : i32
    %add3A_3 = arith.constant 0 : i32
    %add3A_4 = arith.addi %mul3A_2, %add3A_3 : i32
    "tpu.region"() ({
      %run_scoped3A = tpu.sem_alloc : memref<!tpu.dma_semaphore, #tpu.memory_space<semaphore_mem>>
      %dma_start3A_33 = tpu.memref_slice %arg3[%add3A_4] : memref<262144xi32, #tpu.memory_space<hbm>> -> memref<2048xi32, #tpu.memory_space<hbm>>
      %dma_start3A_34 = tpu.memref_slice %arg3[%add3A_4] : memref<262144xi32, #tpu.memory_space<hbm>> -> memref<2048xi32, #tpu.memory_space<hbm>>
      tpu.enqueue_dma source(%dma_start3A_34 : memref<2048xi32, #tpu.memory_space<hbm>>) target(%arg5 : memref<2048xi32, #tpu.memory_space<vmem>>) target_semaphore(%run_scoped3A : memref<!tpu.dma_semaphore, #tpu.memory_space<semaphore_mem>>)
      %dma_wait3A_35 = tpu.memref_slice %arg3[%add3A_4] : memref<262144xi32, #tpu.memory_space<hbm>> -> memref<2048xi32, #tpu.memory_space<hbm>>
      %dma_wait3A_36 = tpu.memref_slice %arg3[%add3A_4] : memref<262144xi32, #tpu.memory_space<hbm>> -> memref<2048xi32, #tpu.memory_space<hbm>>
      tpu.wait_dma2 semaphore(%run_scoped3A : memref<!tpu.dma_semaphore, #tpu.memory_space<semaphore_mem>>) src(%dma_wait3A_36 : memref<2048xi32, #tpu.memory_space<hbm>>) dst(%arg5 : memref<2048xi32, #tpu.memory_space<vmem>>)
      tpu.yield
    }) : () -> ()
    %dma_start3A = arith.constant 0 : i32
    %dma_start3A_5 = arith.constant 0 : i32
    %dma_start3A_6 = tpu.memref_slice %arg2[%dma_start3A, %dma_start3A_5] : memref<16384x32xf32, #tpu.memory_space<hbm>> -> memref<16384x32xf32, #tpu.memory_space<hbm>>
    tpu.enqueue_indirect_dma source(%dma_start3A_6 : memref<16384x32xf32, #tpu.memory_space<hbm>>) target(%arg6 : memref<2048x32xf32, #tpu.memory_space<vmem>>) offsets(%arg5 : memref<2048xi32, #tpu.memory_space<vmem>>) semaphore(%arg7 : memref<!tpu.dma_semaphore, #tpu.memory_space<semaphore_mem>>)
    %dma_wait3A = arith.constant 0 : i32
    %dma_wait3A_7 = arith.constant 0 : i32
    %dma_wait3A_8 = tpu.memref_slice %arg2[%dma_wait3A, %dma_wait3A_7] : memref<16384x32xf32, #tpu.memory_space<hbm>> -> memref<16384x32xf32, #tpu.memory_space<hbm>>
    tpu.wait_indirect_dma semaphore(%arg7 : memref<!tpu.dma_semaphore, #tpu.memory_space<semaphore_mem>>) src(%dma_wait3A_8 : memref<16384x32xf32, #tpu.memory_space<hbm>>) dst(%arg6 : memref<2048x32xf32, #tpu.memory_space<vmem>>)
    "tpu.region"() ({
      %run_scoped3A = tpu.sem_alloc : memref<!tpu.dma_semaphore, #tpu.memory_space<semaphore_mem>>
      %dma_start3A_33 = arith.constant 0 : i32
      %dma_start3A_34 = tpu.memref_slice %arg4[%add3A_4, %dma_start3A_33] : memref<262144x32xf32, #tpu.memory_space<hbm>> -> memref<2048x32xf32, #tpu.memory_space<hbm>>
      %dma_start3A_35 = arith.constant 0 : i32
      %dma_start3A_36 = tpu.memref_slice %arg4[%add3A_4, %dma_start3A_35] : memref<262144x32xf32, #tpu.memory_space<hbm>> -> memref<2048x32xf32, #tpu.memory_space<hbm>>
      tpu.enqueue_dma source(%arg6 : memref<2048x32xf32, #tpu.memory_space<vmem>>) target(%dma_start3A_36 : memref<2048x32xf32, #tpu.memory_space<hbm>>) target_semaphore(%run_scoped3A : memref<!tpu.dma_semaphore, #tpu.memory_space<semaphore_mem>>)
      %dma_wait3A_37 = arith.constant 0 : i32
      %dma_wait3A_38 = tpu.memref_slice %arg4[%add3A_4, %dma_wait3A_37] : memref<262144x32xf32, #tpu.memory_space<hbm>> -> memref<2048x32xf32, #tpu.memory_space<hbm>>
      %dma_wait3A_39 = arith.constant 0 : i32
      %dma_wait3A_40 = tpu.memref_slice %arg4[%add3A_4, %dma_wait3A_39] : memref<262144x32xf32, #tpu.memory_space<hbm>> -> memref<2048x32xf32, #tpu.memory_space<hbm>>
      tpu.wait_dma2 semaphore(%run_scoped3A : memref<!tpu.dma_semaphore, #tpu.memory_space<semaphore_mem>>) src(%arg6 : memref<2048x32xf32, #tpu.memory_space<vmem>>) dst(%dma_wait3A_40 : memref<2048x32xf32, #tpu.memory_space<hbm>>)
      tpu.yield
    }) : () -> ()
    %add3A_9 = arith.constant 2048 : i32
    %add3A_10 = arith.addi %mul3A_2, %add3A_9 : i32
    "tpu.region"() ({
      %run_scoped3A = tpu.sem_alloc : memref<!tpu.dma_semaphore, #tpu.memory_space<semaphore_mem>>
      %dma_start3A_33 = tpu.memref_slice %arg3[%add3A_10] : memref<262144xi32, #tpu.memory_space<hbm>> -> memref<2048xi32, #tpu.memory_space<hbm>>
      %dma_start3A_34 = tpu.memref_slice %arg3[%add3A_10] : memref<262144xi32, #tpu.memory_space<hbm>> -> memref<2048xi32, #tpu.memory_space<hbm>>
      tpu.enqueue_dma source(%dma_start3A_34 : memref<2048xi32, #tpu.memory_space<hbm>>) target(%arg5 : memref<2048xi32, #tpu.memory_space<vmem>>) target_semaphore(%run_scoped3A : memref<!tpu.dma_semaphore, #tpu.memory_space<semaphore_mem>>)
      %dma_wait3A_35 = tpu.memref_slice %arg3[%add3A_10] : memref<262144xi32, #tpu.memory_space<hbm>> -> memref<2048xi32, #tpu.memory_space<hbm>>
      %dma_wait3A_36 = tpu.memref_slice %arg3[%add3A_10] : memref<262144xi32, #tpu.memory_space<hbm>> -> memref<2048xi32, #tpu.memory_space<hbm>>
      tpu.wait_dma2 semaphore(%run_scoped3A : memref<!tpu.dma_semaphore, #tpu.memory_space<semaphore_mem>>) src(%dma_wait3A_36 : memref<2048xi32, #tpu.memory_space<hbm>>) dst(%arg5 : memref<2048xi32, #tpu.memory_space<vmem>>)
      tpu.yield
    }) : () -> ()
    %dma_start3A_11 = arith.constant 0 : i32
    %dma_start3A_12 = arith.constant 0 : i32
    %dma_start3A_13 = tpu.memref_slice %arg2[%dma_start3A_11, %dma_start3A_12] : memref<16384x32xf32, #tpu.memory_space<hbm>> -> memref<16384x32xf32, #tpu.memory_space<hbm>>
    tpu.enqueue_indirect_dma source(%dma_start3A_13 : memref<16384x32xf32, #tpu.memory_space<hbm>>) target(%arg6 : memref<2048x32xf32, #tpu.memory_space<vmem>>) offsets(%arg5 : memref<2048xi32, #tpu.memory_space<vmem>>) semaphore(%arg7 : memref<!tpu.dma_semaphore, #tpu.memory_space<semaphore_mem>>)
    %dma_wait3A_14 = arith.constant 0 : i32
    %dma_wait3A_15 = arith.constant 0 : i32
    %dma_wait3A_16 = tpu.memref_slice %arg2[%dma_wait3A_14, %dma_wait3A_15] : memref<16384x32xf32, #tpu.memory_space<hbm>> -> memref<16384x32xf32, #tpu.memory_space<hbm>>
    tpu.wait_indirect_dma semaphore(%arg7 : memref<!tpu.dma_semaphore, #tpu.memory_space<semaphore_mem>>) src(%dma_wait3A_16 : memref<16384x32xf32, #tpu.memory_space<hbm>>) dst(%arg6 : memref<2048x32xf32, #tpu.memory_space<vmem>>)
    "tpu.region"() ({
      %run_scoped3A = tpu.sem_alloc : memref<!tpu.dma_semaphore, #tpu.memory_space<semaphore_mem>>
      %dma_start3A_33 = arith.constant 0 : i32
      %dma_start3A_34 = tpu.memref_slice %arg4[%add3A_10, %dma_start3A_33] : memref<262144x32xf32, #tpu.memory_space<hbm>> -> memref<2048x32xf32, #tpu.memory_space<hbm>>
      %dma_start3A_35 = arith.constant 0 : i32
      %dma_start3A_36 = tpu.memref_slice %arg4[%add3A_10, %dma_start3A_35] : memref<262144x32xf32, #tpu.memory_space<hbm>> -> memref<2048x32xf32, #tpu.memory_space<hbm>>
      tpu.enqueue_dma source(%arg6 : memref<2048x32xf32, #tpu.memory_space<vmem>>) target(%dma_start3A_36 : memref<2048x32xf32, #tpu.memory_space<hbm>>) target_semaphore(%run_scoped3A : memref<!tpu.dma_semaphore, #tpu.memory_space<semaphore_mem>>)
      %dma_wait3A_37 = arith.constant 0 : i32
      %dma_wait3A_38 = tpu.memref_slice %arg4[%add3A_10, %dma_wait3A_37] : memref<262144x32xf32, #tpu.memory_space<hbm>> -> memref<2048x32xf32, #tpu.memory_space<hbm>>
      %dma_wait3A_39 = arith.constant 0 : i32
      %dma_wait3A_40 = tpu.memref_slice %arg4[%add3A_10, %dma_wait3A_39] : memref<262144x32xf32, #tpu.memory_space<hbm>> -> memref<2048x32xf32, #tpu.memory_space<hbm>>
      tpu.wait_dma2 semaphore(%run_scoped3A : memref<!tpu.dma_semaphore, #tpu.memory_space<semaphore_mem>>) src(%arg6 : memref<2048x32xf32, #tpu.memory_space<vmem>>) dst(%dma_wait3A_40 : memref<2048x32xf32, #tpu.memory_space<hbm>>)
      tpu.yield
    }) : () -> ()
    %add3A_17 = arith.constant 4096 : i32
    %add3A_18 = arith.addi %mul3A_2, %add3A_17 : i32
    "tpu.region"() ({
      %run_scoped3A = tpu.sem_alloc : memref<!tpu.dma_semaphore, #tpu.memory_space<semaphore_mem>>
      %dma_start3A_33 = tpu.memref_slice %arg3[%add3A_18] : memref<262144xi32, #tpu.memory_space<hbm>> -> memref<2048xi32, #tpu.memory_space<hbm>>
      %dma_start3A_34 = tpu.memref_slice %arg3[%add3A_18] : memref<262144xi32, #tpu.memory_space<hbm>> -> memref<2048xi32, #tpu.memory_space<hbm>>
      tpu.enqueue_dma source(%dma_start3A_34 : memref<2048xi32, #tpu.memory_space<hbm>>) target(%arg5 : memref<2048xi32, #tpu.memory_space<vmem>>) target_semaphore(%run_scoped3A : memref<!tpu.dma_semaphore, #tpu.memory_space<semaphore_mem>>)
      %dma_wait3A_35 = tpu.memref_slice %arg3[%add3A_18] : memref<262144xi32, #tpu.memory_space<hbm>> -> memref<2048xi32, #tpu.memory_space<hbm>>
      %dma_wait3A_36 = tpu.memref_slice %arg3[%add3A_18] : memref<262144xi32, #tpu.memory_space<hbm>> -> memref<2048xi32, #tpu.memory_space<hbm>>
      tpu.wait_dma2 semaphore(%run_scoped3A : memref<!tpu.dma_semaphore, #tpu.memory_space<semaphore_mem>>) src(%dma_wait3A_36 : memref<2048xi32, #tpu.memory_space<hbm>>) dst(%arg5 : memref<2048xi32, #tpu.memory_space<vmem>>)
      tpu.yield
    }) : () -> ()
    %dma_start3A_19 = arith.constant 0 : i32
    %dma_start3A_20 = arith.constant 0 : i32
    %dma_start3A_21 = tpu.memref_slice %arg2[%dma_start3A_19, %dma_start3A_20] : memref<16384x32xf32, #tpu.memory_space<hbm>> -> memref<16384x32xf32, #tpu.memory_space<hbm>>
    tpu.enqueue_indirect_dma source(%dma_start3A_21 : memref<16384x32xf32, #tpu.memory_space<hbm>>) target(%arg6 : memref<2048x32xf32, #tpu.memory_space<vmem>>) offsets(%arg5 : memref<2048xi32, #tpu.memory_space<vmem>>) semaphore(%arg7 : memref<!tpu.dma_semaphore, #tpu.memory_space<semaphore_mem>>)
    %dma_wait3A_22 = arith.constant 0 : i32
    %dma_wait3A_23 = arith.constant 0 : i32
    %dma_wait3A_24 = tpu.memref_slice %arg2[%dma_wait3A_22, %dma_wait3A_23] : memref<16384x32xf32, #tpu.memory_space<hbm>> -> memref<16384x32xf32, #tpu.memory_space<hbm>>
    tpu.wait_indirect_dma semaphore(%arg7 : memref<!tpu.dma_semaphore, #tpu.memory_space<semaphore_mem>>) src(%dma_wait3A_24 : memref<16384x32xf32, #tpu.memory_space<hbm>>) dst(%arg6 : memref<2048x32xf32, #tpu.memory_space<vmem>>)
    "tpu.region"() ({
      %run_scoped3A = tpu.sem_alloc : memref<!tpu.dma_semaphore, #tpu.memory_space<semaphore_mem>>
      %dma_start3A_33 = arith.constant 0 : i32
      %dma_start3A_34 = tpu.memref_slice %arg4[%add3A_18, %dma_start3A_33] : memref<262144x32xf32, #tpu.memory_space<hbm>> -> memref<2048x32xf32, #tpu.memory_space<hbm>>
      %dma_start3A_35 = arith.constant 0 : i32
      %dma_start3A_36 = tpu.memref_slice %arg4[%add3A_18, %dma_start3A_35] : memref<262144x32xf32, #tpu.memory_space<hbm>> -> memref<2048x32xf32, #tpu.memory_space<hbm>>
      tpu.enqueue_dma source(%arg6 : memref<2048x32xf32, #tpu.memory_space<vmem>>) target(%dma_start3A_36 : memref<2048x32xf32, #tpu.memory_space<hbm>>) target_semaphore(%run_scoped3A : memref<!tpu.dma_semaphore, #tpu.memory_space<semaphore_mem>>)
      %dma_wait3A_37 = arith.constant 0 : i32
      %dma_wait3A_38 = tpu.memref_slice %arg4[%add3A_18, %dma_wait3A_37] : memref<262144x32xf32, #tpu.memory_space<hbm>> -> memref<2048x32xf32, #tpu.memory_space<hbm>>
      %dma_wait3A_39 = arith.constant 0 : i32
      %dma_wait3A_40 = tpu.memref_slice %arg4[%add3A_18, %dma_wait3A_39] : memref<262144x32xf32, #tpu.memory_space<hbm>> -> memref<2048x32xf32, #tpu.memory_space<hbm>>
      tpu.wait_dma2 semaphore(%run_scoped3A : memref<!tpu.dma_semaphore, #tpu.memory_space<semaphore_mem>>) src(%arg6 : memref<2048x32xf32, #tpu.memory_space<vmem>>) dst(%dma_wait3A_40 : memref<2048x32xf32, #tpu.memory_space<hbm>>)
      tpu.yield
    }) : () -> ()
    %add3A_25 = arith.constant 6144 : i32
    %add3A_26 = arith.addi %mul3A_2, %add3A_25 : i32
    "tpu.region"() ({
      %run_scoped3A = tpu.sem_alloc : memref<!tpu.dma_semaphore, #tpu.memory_space<semaphore_mem>>
      %dma_start3A_33 = tpu.memref_slice %arg3[%add3A_26] : memref<262144xi32, #tpu.memory_space<hbm>> -> memref<2048xi32, #tpu.memory_space<hbm>>
      %dma_start3A_34 = tpu.memref_slice %arg3[%add3A_26] : memref<262144xi32, #tpu.memory_space<hbm>> -> memref<2048xi32, #tpu.memory_space<hbm>>
      tpu.enqueue_dma source(%dma_start3A_34 : memref<2048xi32, #tpu.memory_space<hbm>>) target(%arg5 : memref<2048xi32, #tpu.memory_space<vmem>>) target_semaphore(%run_scoped3A : memref<!tpu.dma_semaphore, #tpu.memory_space<semaphore_mem>>)
      %dma_wait3A_35 = tpu.memref_slice %arg3[%add3A_26] : memref<262144xi32, #tpu.memory_space<hbm>> -> memref<2048xi32, #tpu.memory_space<hbm>>
      %dma_wait3A_36 = tpu.memref_slice %arg3[%add3A_26] : memref<262144xi32, #tpu.memory_space<hbm>> -> memref<2048xi32, #tpu.memory_space<hbm>>
      tpu.wait_dma2 semaphore(%run_scoped3A : memref<!tpu.dma_semaphore, #tpu.memory_space<semaphore_mem>>) src(%dma_wait3A_36 : memref<2048xi32, #tpu.memory_space<hbm>>) dst(%arg5 : memref<2048xi32, #tpu.memory_space<vmem>>)
      tpu.yield
    }) : () -> ()
    %dma_start3A_27 = arith.constant 0 : i32
    %dma_start3A_28 = arith.constant 0 : i32
    %dma_start3A_29 = tpu.memref_slice %arg2[%dma_start3A_27, %dma_start3A_28] : memref<16384x32xf32, #tpu.memory_space<hbm>> -> memref<16384x32xf32, #tpu.memory_space<hbm>>
    tpu.enqueue_indirect_dma source(%dma_start3A_29 : memref<16384x32xf32, #tpu.memory_space<hbm>>) target(%arg6 : memref<2048x32xf32, #tpu.memory_space<vmem>>) offsets(%arg5 : memref<2048xi32, #tpu.memory_space<vmem>>) semaphore(%arg7 : memref<!tpu.dma_semaphore, #tpu.memory_space<semaphore_mem>>)
    %dma_wait3A_30 = arith.constant 0 : i32
    %dma_wait3A_31 = arith.constant 0 : i32
    %dma_wait3A_32 = tpu.memref_slice %arg2[%dma_wait3A_30, %dma_wait3A_31] : memref<16384x32xf32, #tpu.memory_space<hbm>> -> memref<16384x32xf32, #tpu.memory_space<hbm>>
    tpu.wait_indirect_dma semaphore(%arg7 : memref<!tpu.dma_semaphore, #tpu.memory_space<semaphore_mem>>) src(%dma_wait3A_32 : memref<16384x32xf32, #tpu.memory_space<hbm>>) dst(%arg6 : memref<2048x32xf32, #tpu.memory_space<vmem>>)
    "tpu.region"() ({
      %run_scoped3A = tpu.sem_alloc : memref<!tpu.dma_semaphore, #tpu.memory_space<semaphore_mem>>
      %dma_start3A_33 = arith.constant 0 : i32
      %dma_start3A_34 = tpu.memref_slice %arg4[%add3A_26, %dma_start3A_33] : memref<262144x32xf32, #tpu.memory_space<hbm>> -> memref<2048x32xf32, #tpu.memory_space<hbm>>
      %dma_start3A_35 = arith.constant 0 : i32
      %dma_start3A_36 = tpu.memref_slice %arg4[%add3A_26, %dma_start3A_35] : memref<262144x32xf32, #tpu.memory_space<hbm>> -> memref<2048x32xf32, #tpu.memory_space<hbm>>
      tpu.enqueue_dma source(%arg6 : memref<2048x32xf32, #tpu.memory_space<vmem>>) target(%dma_start3A_36 : memref<2048x32xf32, #tpu.memory_space<hbm>>) target_semaphore(%run_scoped3A : memref<!tpu.dma_semaphore, #tpu.memory_space<semaphore_mem>>)
      %dma_wait3A_37 = arith.constant 0 : i32
      %dma_wait3A_38 = tpu.memref_slice %arg4[%add3A_26, %dma_wait3A_37] : memref<262144x32xf32, #tpu.memory_space<hbm>> -> memref<2048x32xf32, #tpu.memory_space<hbm>>
      %dma_wait3A_39 = arith.constant 0 : i32
      %dma_wait3A_40 = tpu.memref_slice %arg4[%add3A_26, %dma_wait3A_39] : memref<262144x32xf32, #tpu.memory_space<hbm>> -> memref<2048x32xf32, #tpu.memory_space<hbm>>
      tpu.wait_dma2 semaphore(%run_scoped3A : memref<!tpu.dma_semaphore, #tpu.memory_space<semaphore_mem>>) src(%arg6 : memref<2048x32xf32, #tpu.memory_space<vmem>>) dst(%dma_wait3A_40 : memref<2048x32xf32, #tpu.memory_space<hbm>>)
      tpu.yield
    }) : () -> ()
    return
  }
}

module attributes {stable_mosaic.version = 14 : i64} {
  func.func @_knn_body(%arg0: i32, %arg1: i32, %arg2: memref<1x32x4096xf32, #tpu.memory_space<vmem>>, %arg3: memref<1x512x32xf32, #tpu.memory_space<vmem>>, %arg4: memref<1x512x16xi32, #tpu.memory_space<vmem>>) attributes {dimension_semantics = [#tpu.dimension_semantics<parallel>, #tpu.dimension_semantics<parallel>], iteration_bounds = array<i64: 4, 8>, scalar_prefetch = 0 : i64, scratch_operands = 0 : i64, tpu.core_type = #tpu.core_type<tc>, window_params = [{transform_indices = @transform_0, window_bounds = array<i64: 1, 32, 4096>}, {transform_indices = @transform_1, window_bounds = array<i64: 1, 512, 32>}, {transform_indices = @transform_2, window_bounds = array<i64: 1, 512, 16>}]} {
    %get3A = arith.constant 0 : index
    %get3A_0 = arith.constant 0 : index
    %get3A_1 = arith.constant 0 : index
    %get3A_2 = vector.load %arg2[%get3A, %get3A_0, %get3A_1] : memref<1x32x4096xf32, #tpu.memory_space<vmem>>, vector<1x32x4096xf32>
    %get3A_3 = vector.shape_cast %get3A_2 : vector<1x32x4096xf32> to vector<32x4096xf32>
    %get3A_4 = arith.constant 0 : index
    %get3A_5 = arith.constant 0 : index
    %get3A_6 = arith.constant 0 : index
    %get3A_7 = vector.load %arg3[%get3A_4, %get3A_5, %get3A_6] : memref<1x512x32xf32, #tpu.memory_space<vmem>>, vector<1x512x32xf32>
    %get3A_8 = vector.shape_cast %get3A_7 : vector<1x512x32xf32> to vector<512x32xf32>
    %mul3A = arith.mulf %get3A_3, %get3A_3 : vector<32x4096xf32>
    %reduce_sum3A = arith.constant dense<0.000000e+00> : vector<4096xf32>
    %reduce_sum3A_9 = vector.multi_reduction <add>, %mul3A, %reduce_sum3A [0] : vector<32x4096xf32> to vector<4096xf32>
    %broadcast_in_dim3A = vector.shape_cast %reduce_sum3A_9 : vector<4096xf32> to vector<1x4096xf32>
    %mul3A_10 = arith.mulf %get3A_8, %get3A_8 : vector<512x32xf32>
    %reduce_sum3A_11 = arith.constant dense<0.000000e+00> : vector<512xf32>
    %reduce_sum3A_12 = vector.multi_reduction <add>, %mul3A_10, %reduce_sum3A_11 [1] : vector<512x32xf32> to vector<512xf32>
    %broadcast_in_dim3A_13 = vector.shape_cast %reduce_sum3A_12 : vector<512xf32> to vector<512x1xf32>
    %mul3A_14 = arith.constant -2.000000e+00 : f32
    %mul3A_15 = vector.broadcast %mul3A_14 : f32 to vector<512x32xf32>
    %mul3A_16 = arith.mulf %get3A_8, %mul3A_15 : vector<512x32xf32>
    %dot_general3A = arith.constant dense<0.000000e+00> : vector<512x4096xf32>
    %dot_general3A_17 = tpu.matmul %mul3A_16, %get3A_3, %dot_general3A {dimension_numbers = #tpu.dot_dimension_numbers<[1], [0], [0], [1], [0, 0, 1, 1], [], []>, transpose_lhs_hint = false} : vector<512x32xf32>, vector<32x4096xf32>, vector<512x4096xf32> -> vector<512x4096xf32>
    %iota3A = tpu.iota {dimensions = array<i32: 1>} : vector<512x4096xi32>
    %iota3A_18 = tpu.iota {dimensions = array<i32: 0>} : vector<512x1xi32>
    %mul3A_19 = arith.constant 512 : i32
    %mul3A_20 = arith.muli %arg1, %mul3A_19 : i32
    %add3A = vector.broadcast %mul3A_20 : i32 to vector<512x1xi32>
    %add3A_21 = arith.addi %iota3A_18, %add3A : vector<512x1xi32>
    %eq3A = vector.broadcast %add3A_21 : vector<512x1xi32> to vector<512x4096xi32>
    %eq3A_22 = arith.cmpi eq, %iota3A, %eq3A : vector<512x4096xi32>
    %add3A_23 = vector.broadcast %broadcast_in_dim3A_13 : vector<512x1xf32> to vector<512x4096xf32>
    %add3A_24 = arith.addf %dot_general3A_17, %add3A_23 : vector<512x4096xf32>
    %add3A_25 = vector.broadcast %broadcast_in_dim3A : vector<1x4096xf32> to vector<512x4096xf32>
    %add3A_26 = arith.addf %add3A_24, %add3A_25 : vector<512x4096xf32>
    %jit3A = arith.constant 0x7F800000 : f32
    %broadcast_in_dim3A_27 = vector.broadcast %jit3A : f32 to vector<512x4096xf32>
    %select_n3A = arith.select %eq3A_22, %broadcast_in_dim3A_27, %add3A_26 : vector<512x4096xi1>, vector<512x4096xf32>
    %argmin3A = tpu.reduce_index %select_n3A {axis = 1 : i32, kind = #tpu.reduction_kind<arg_min>} : vector<512x4096xf32> -> vector<512xi32>
    %broadcast_in_dim3A_28 = vector.shape_cast %argmin3A : vector<512xi32> to vector<512x1xi32>
    %eq3A_29 = vector.broadcast %broadcast_in_dim3A_28 : vector<512x1xi32> to vector<512x4096xi32>
    %eq3A_30 = arith.cmpi eq, %iota3A, %eq3A_29 : vector<512x4096xi32>
    %jit3A_31 = arith.constant 0x7F800000 : f32
    %broadcast_in_dim3A_32 = vector.broadcast %jit3A_31 : f32 to vector<512x4096xf32>
    %select_n3A_33 = arith.select %eq3A_30, %broadcast_in_dim3A_32, %select_n3A : vector<512x4096xi1>, vector<512x4096xf32>
    %argmin3A_34 = tpu.reduce_index %select_n3A_33 {axis = 1 : i32, kind = #tpu.reduction_kind<arg_min>} : vector<512x4096xf32> -> vector<512xi32>
    %broadcast_in_dim3A_35 = vector.shape_cast %argmin3A_34 : vector<512xi32> to vector<512x1xi32>
    %eq3A_36 = vector.broadcast %broadcast_in_dim3A_35 : vector<512x1xi32> to vector<512x4096xi32>
    %eq3A_37 = arith.cmpi eq, %iota3A, %eq3A_36 : vector<512x4096xi32>
    %jit3A_38 = arith.constant 0x7F800000 : f32
    %broadcast_in_dim3A_39 = vector.broadcast %jit3A_38 : f32 to vector<512x4096xf32>
    %select_n3A_40 = arith.select %eq3A_37, %broadcast_in_dim3A_39, %select_n3A_33 : vector<512x4096xi1>, vector<512x4096xf32>
    %argmin3A_41 = tpu.reduce_index %select_n3A_40 {axis = 1 : i32, kind = #tpu.reduction_kind<arg_min>} : vector<512x4096xf32> -> vector<512xi32>
    %broadcast_in_dim3A_42 = vector.shape_cast %argmin3A_41 : vector<512xi32> to vector<512x1xi32>
    %eq3A_43 = vector.broadcast %broadcast_in_dim3A_42 : vector<512x1xi32> to vector<512x4096xi32>
    %eq3A_44 = arith.cmpi eq, %iota3A, %eq3A_43 : vector<512x4096xi32>
    %jit3A_45 = arith.constant 0x7F800000 : f32
    %broadcast_in_dim3A_46 = vector.broadcast %jit3A_45 : f32 to vector<512x4096xf32>
    %select_n3A_47 = arith.select %eq3A_44, %broadcast_in_dim3A_46, %select_n3A_40 : vector<512x4096xi1>, vector<512x4096xf32>
    %argmin3A_48 = tpu.reduce_index %select_n3A_47 {axis = 1 : i32, kind = #tpu.reduction_kind<arg_min>} : vector<512x4096xf32> -> vector<512xi32>
    %broadcast_in_dim3A_49 = vector.shape_cast %argmin3A_48 : vector<512xi32> to vector<512x1xi32>
    %eq3A_50 = vector.broadcast %broadcast_in_dim3A_49 : vector<512x1xi32> to vector<512x4096xi32>
    %eq3A_51 = arith.cmpi eq, %iota3A, %eq3A_50 : vector<512x4096xi32>
    %jit3A_52 = arith.constant 0x7F800000 : f32
    %broadcast_in_dim3A_53 = vector.broadcast %jit3A_52 : f32 to vector<512x4096xf32>
    %select_n3A_54 = arith.select %eq3A_51, %broadcast_in_dim3A_53, %select_n3A_47 : vector<512x4096xi1>, vector<512x4096xf32>
    %argmin3A_55 = tpu.reduce_index %select_n3A_54 {axis = 1 : i32, kind = #tpu.reduction_kind<arg_min>} : vector<512x4096xf32> -> vector<512xi32>
    %broadcast_in_dim3A_56 = vector.shape_cast %argmin3A_55 : vector<512xi32> to vector<512x1xi32>
    %eq3A_57 = vector.broadcast %broadcast_in_dim3A_56 : vector<512x1xi32> to vector<512x4096xi32>
    %eq3A_58 = arith.cmpi eq, %iota3A, %eq3A_57 : vector<512x4096xi32>
    %jit3A_59 = arith.constant 0x7F800000 : f32
    %broadcast_in_dim3A_60 = vector.broadcast %jit3A_59 : f32 to vector<512x4096xf32>
    %select_n3A_61 = arith.select %eq3A_58, %broadcast_in_dim3A_60, %select_n3A_54 : vector<512x4096xi1>, vector<512x4096xf32>
    %argmin3A_62 = tpu.reduce_index %select_n3A_61 {axis = 1 : i32, kind = #tpu.reduction_kind<arg_min>} : vector<512x4096xf32> -> vector<512xi32>
    %broadcast_in_dim3A_63 = vector.shape_cast %argmin3A_62 : vector<512xi32> to vector<512x1xi32>
    %eq3A_64 = vector.broadcast %broadcast_in_dim3A_63 : vector<512x1xi32> to vector<512x4096xi32>
    %eq3A_65 = arith.cmpi eq, %iota3A, %eq3A_64 : vector<512x4096xi32>
    %jit3A_66 = arith.constant 0x7F800000 : f32
    %broadcast_in_dim3A_67 = vector.broadcast %jit3A_66 : f32 to vector<512x4096xf32>
    %select_n3A_68 = arith.select %eq3A_65, %broadcast_in_dim3A_67, %select_n3A_61 : vector<512x4096xi1>, vector<512x4096xf32>
    %argmin3A_69 = tpu.reduce_index %select_n3A_68 {axis = 1 : i32, kind = #tpu.reduction_kind<arg_min>} : vector<512x4096xf32> -> vector<512xi32>
    %broadcast_in_dim3A_70 = vector.shape_cast %argmin3A_69 : vector<512xi32> to vector<512x1xi32>
    %eq3A_71 = vector.broadcast %broadcast_in_dim3A_70 : vector<512x1xi32> to vector<512x4096xi32>
    %eq3A_72 = arith.cmpi eq, %iota3A, %eq3A_71 : vector<512x4096xi32>
    %jit3A_73 = arith.constant 0x7F800000 : f32
    %broadcast_in_dim3A_74 = vector.broadcast %jit3A_73 : f32 to vector<512x4096xf32>
    %select_n3A_75 = arith.select %eq3A_72, %broadcast_in_dim3A_74, %select_n3A_68 : vector<512x4096xi1>, vector<512x4096xf32>
    %argmin3A_76 = tpu.reduce_index %select_n3A_75 {axis = 1 : i32, kind = #tpu.reduction_kind<arg_min>} : vector<512x4096xf32> -> vector<512xi32>
    %broadcast_in_dim3A_77 = vector.shape_cast %argmin3A_76 : vector<512xi32> to vector<512x1xi32>
    %eq3A_78 = vector.broadcast %broadcast_in_dim3A_77 : vector<512x1xi32> to vector<512x4096xi32>
    %eq3A_79 = arith.cmpi eq, %iota3A, %eq3A_78 : vector<512x4096xi32>
    %jit3A_80 = arith.constant 0x7F800000 : f32
    %broadcast_in_dim3A_81 = vector.broadcast %jit3A_80 : f32 to vector<512x4096xf32>
    %select_n3A_82 = arith.select %eq3A_79, %broadcast_in_dim3A_81, %select_n3A_75 : vector<512x4096xi1>, vector<512x4096xf32>
    %argmin3A_83 = tpu.reduce_index %select_n3A_82 {axis = 1 : i32, kind = #tpu.reduction_kind<arg_min>} : vector<512x4096xf32> -> vector<512xi32>
    %broadcast_in_dim3A_84 = vector.shape_cast %argmin3A_83 : vector<512xi32> to vector<512x1xi32>
    %eq3A_85 = vector.broadcast %broadcast_in_dim3A_84 : vector<512x1xi32> to vector<512x4096xi32>
    %eq3A_86 = arith.cmpi eq, %iota3A, %eq3A_85 : vector<512x4096xi32>
    %jit3A_87 = arith.constant 0x7F800000 : f32
    %broadcast_in_dim3A_88 = vector.broadcast %jit3A_87 : f32 to vector<512x4096xf32>
    %select_n3A_89 = arith.select %eq3A_86, %broadcast_in_dim3A_88, %select_n3A_82 : vector<512x4096xi1>, vector<512x4096xf32>
    %argmin3A_90 = tpu.reduce_index %select_n3A_89 {axis = 1 : i32, kind = #tpu.reduction_kind<arg_min>} : vector<512x4096xf32> -> vector<512xi32>
    %broadcast_in_dim3A_91 = vector.shape_cast %argmin3A_90 : vector<512xi32> to vector<512x1xi32>
    %eq3A_92 = vector.broadcast %broadcast_in_dim3A_91 : vector<512x1xi32> to vector<512x4096xi32>
    %eq3A_93 = arith.cmpi eq, %iota3A, %eq3A_92 : vector<512x4096xi32>
    %jit3A_94 = arith.constant 0x7F800000 : f32
    %broadcast_in_dim3A_95 = vector.broadcast %jit3A_94 : f32 to vector<512x4096xf32>
    %select_n3A_96 = arith.select %eq3A_93, %broadcast_in_dim3A_95, %select_n3A_89 : vector<512x4096xi1>, vector<512x4096xf32>
    %argmin3A_97 = tpu.reduce_index %select_n3A_96 {axis = 1 : i32, kind = #tpu.reduction_kind<arg_min>} : vector<512x4096xf32> -> vector<512xi32>
    %broadcast_in_dim3A_98 = vector.shape_cast %argmin3A_97 : vector<512xi32> to vector<512x1xi32>
    %eq3A_99 = vector.broadcast %broadcast_in_dim3A_98 : vector<512x1xi32> to vector<512x4096xi32>
    %eq3A_100 = arith.cmpi eq, %iota3A, %eq3A_99 : vector<512x4096xi32>
    %jit3A_101 = arith.constant 0x7F800000 : f32
    %broadcast_in_dim3A_102 = vector.broadcast %jit3A_101 : f32 to vector<512x4096xf32>
    %select_n3A_103 = arith.select %eq3A_100, %broadcast_in_dim3A_102, %select_n3A_96 : vector<512x4096xi1>, vector<512x4096xf32>
    %argmin3A_104 = tpu.reduce_index %select_n3A_103 {axis = 1 : i32, kind = #tpu.reduction_kind<arg_min>} : vector<512x4096xf32> -> vector<512xi32>
    %broadcast_in_dim3A_105 = vector.shape_cast %argmin3A_104 : vector<512xi32> to vector<512x1xi32>
    %eq3A_106 = vector.broadcast %broadcast_in_dim3A_105 : vector<512x1xi32> to vector<512x4096xi32>
    %eq3A_107 = arith.cmpi eq, %iota3A, %eq3A_106 : vector<512x4096xi32>
    %jit3A_108 = arith.constant 0x7F800000 : f32
    %broadcast_in_dim3A_109 = vector.broadcast %jit3A_108 : f32 to vector<512x4096xf32>
    %select_n3A_110 = arith.select %eq3A_107, %broadcast_in_dim3A_109, %select_n3A_103 : vector<512x4096xi1>, vector<512x4096xf32>
    %argmin3A_111 = tpu.reduce_index %select_n3A_110 {axis = 1 : i32, kind = #tpu.reduction_kind<arg_min>} : vector<512x4096xf32> -> vector<512xi32>
    %broadcast_in_dim3A_112 = vector.shape_cast %argmin3A_111 : vector<512xi32> to vector<512x1xi32>
    %eq3A_113 = vector.broadcast %broadcast_in_dim3A_112 : vector<512x1xi32> to vector<512x4096xi32>
    %eq3A_114 = arith.cmpi eq, %iota3A, %eq3A_113 : vector<512x4096xi32>
    %jit3A_115 = arith.constant 0x7F800000 : f32
    %broadcast_in_dim3A_116 = vector.broadcast %jit3A_115 : f32 to vector<512x4096xf32>
    %select_n3A_117 = arith.select %eq3A_114, %broadcast_in_dim3A_116, %select_n3A_110 : vector<512x4096xi1>, vector<512x4096xf32>
    %argmin3A_118 = tpu.reduce_index %select_n3A_117 {axis = 1 : i32, kind = #tpu.reduction_kind<arg_min>} : vector<512x4096xf32> -> vector<512xi32>
    %broadcast_in_dim3A_119 = vector.shape_cast %argmin3A_118 : vector<512xi32> to vector<512x1xi32>
    %eq3A_120 = vector.broadcast %broadcast_in_dim3A_119 : vector<512x1xi32> to vector<512x4096xi32>
    %eq3A_121 = arith.cmpi eq, %iota3A, %eq3A_120 : vector<512x4096xi32>
    %jit3A_122 = arith.constant 0x7F800000 : f32
    %broadcast_in_dim3A_123 = vector.broadcast %jit3A_122 : f32 to vector<512x4096xf32>
    %select_n3A_124 = arith.select %eq3A_121, %broadcast_in_dim3A_123, %select_n3A_117 : vector<512x4096xi1>, vector<512x4096xf32>
    %argmin3A_125 = tpu.reduce_index %select_n3A_124 {axis = 1 : i32, kind = #tpu.reduction_kind<arg_min>} : vector<512x4096xf32> -> vector<512xi32>
    %broadcast_in_dim3A_126 = vector.shape_cast %argmin3A_125 : vector<512xi32> to vector<512x1xi32>
    %eq3A_127 = vector.broadcast %broadcast_in_dim3A_126 : vector<512x1xi32> to vector<512x4096xi32>
    %eq3A_128 = arith.cmpi eq, %iota3A, %eq3A_127 : vector<512x4096xi32>
    %jit3A_129 = arith.constant 0x7F800000 : f32
    %broadcast_in_dim3A_130 = vector.broadcast %jit3A_129 : f32 to vector<512x4096xf32>
    %select_n3A_131 = arith.select %eq3A_128, %broadcast_in_dim3A_130, %select_n3A_124 : vector<512x4096xi1>, vector<512x4096xf32>
    %argmin3A_132 = tpu.reduce_index %select_n3A_131 {axis = 1 : i32, kind = #tpu.reduction_kind<arg_min>} : vector<512x4096xf32> -> vector<512xi32>
    %broadcast_in_dim3A_133 = vector.shape_cast %argmin3A_132 : vector<512xi32> to vector<512x1xi32>
    %concatenate3A = tpu.concatenate %broadcast_in_dim3A_28, %broadcast_in_dim3A_35, %broadcast_in_dim3A_42, %broadcast_in_dim3A_49, %broadcast_in_dim3A_56, %broadcast_in_dim3A_63, %broadcast_in_dim3A_70, %broadcast_in_dim3A_77, %broadcast_in_dim3A_84, %broadcast_in_dim3A_91, %broadcast_in_dim3A_98, %broadcast_in_dim3A_105, %broadcast_in_dim3A_112, %broadcast_in_dim3A_119, %broadcast_in_dim3A_126, %broadcast_in_dim3A_133 in 1 : vector<512x1xi32>, vector<512x1xi32>, vector<512x1xi32>, vector<512x1xi32>, vector<512x1xi32>, vector<512x1xi32>, vector<512x1xi32>, vector<512x1xi32>, vector<512x1xi32>, vector<512x1xi32>, vector<512x1xi32>, vector<512x1xi32>, vector<512x1xi32>, vector<512x1xi32>, vector<512x1xi32>, vector<512x1xi32> -> vector<512x16xi32>
    %mul3A_134 = arith.constant 4096 : i32
    %mul3A_135 = arith.muli %arg0, %mul3A_134 : i32
    %add3A_136 = vector.broadcast %mul3A_135 : i32 to vector<512x16xi32>
    %add3A_137 = arith.addi %concatenate3A, %add3A_136 : vector<512x16xi32>
    %swap3A = arith.constant 0 : index
    %swap3A_138 = arith.constant 0 : index
    %swap3A_139 = arith.constant 0 : index
    %swap3A_140 = vector.load %arg4[%swap3A, %swap3A_138, %swap3A_139] : memref<1x512x16xi32, #tpu.memory_space<vmem>>, vector<1x512x16xi32>
    %swap3A_141 = vector.shape_cast %swap3A_140 : vector<1x512x16xi32> to vector<512x16xi32>
    %swap3A_142 = vector.shape_cast %add3A_137 : vector<512x16xi32> to vector<1x512x16xi32>
    tpu.vector_store %arg4[%swap3A, %swap3A_138, %swap3A_139], %swap3A_142 {strides = array<i32>} : memref<1x512x16xi32, #tpu.memory_space<vmem>>, vector<1x512x16xi32>,
    return
  }
  func.func @transform_0(%arg0: i32, %arg1: i32) -> (i32, i32, i32) {
    %c0_i32 = arith.constant 0 : i32
    %c0_i32_0 = arith.constant 0 : i32
    %c0_i32_1 = arith.constant 0 : i32
    return %arg0, %c0_i32, %c0_i32_0 : i32, i32, i32
  }
  func.func @transform_1(%arg0: i32, %arg1: i32) -> (i32, i32, i32) {
    %c0_i32 = arith.constant 0 : i32
    %c0_i32_0 = arith.constant 0 : i32
    return %arg0, %arg1, %c0_i32 : i32, i32, i32
  }
  func.func @transform_2(%arg0: i32, %arg1: i32) -> (i32, i32, i32) {
    %c0_i32 = arith.constant 0 : i32
    %c0_i32_0 = arith.constant 0 : i32
    return %arg0, %arg1, %c0_i32 : i32, i32, i32
  }
}

module attributes {stable_mosaic.version = 14 : i64} {
  func.func @_conv_body(%arg0: i32, %arg1: i32, %arg2: memref<1x256x32xf32, #tpu.memory_space<vmem>>, %arg3: memref<1x256x512xf32, #tpu.memory_space<vmem>>, %arg4: memref<32x32xf32, #tpu.memory_space<vmem>>, %arg5: memref<512x32xf32, #tpu.memory_space<vmem>>, %arg6: memref<1x32xf32, #tpu.memory_space<vmem>>, %arg7: memref<1x256x32xf32, #tpu.memory_space<vmem>>, %arg8: memref<2x32xf32, #tpu.memory_space<vmem>>) attributes {dimension_semantics = [#tpu.dimension_semantics<arbitrary>, #tpu.dimension_semantics<arbitrary>], iteration_bounds = array<i64: 4, 16>, scalar_prefetch = 0 : i64, scratch_operands = 0 : i64, tpu.core_type = #tpu.core_type<tc>, window_params = [{transform_indices = @transform_0, window_bounds = array<i64: 1, 256, 32>}, {transform_indices = @transform_1, window_bounds = array<i64: 1, 256, 512>}, {pipeline_mode = #tpu.pipeline_mode<synchronous>, transform_indices = @transform_2, window_bounds = array<i64: 32, 32>}, {pipeline_mode = #tpu.pipeline_mode<synchronous>, transform_indices = @transform_3, window_bounds = array<i64: 512, 32>}, {pipeline_mode = #tpu.pipeline_mode<synchronous>, transform_indices = @transform_4, window_bounds = array<i64: 1, 32>}, {transform_indices = @transform_5, window_bounds = array<i64: 1, 256, 32>}, {pipeline_mode = #tpu.pipeline_mode<synchronous>, transform_indices = @transform_6, window_bounds = array<i64: 2, 32>}]} {
    %get3A = arith.constant 0 : index
    %get3A_0 = arith.constant 0 : index
    %get3A_1 = arith.constant 0 : index
    %get3A_2 = vector.load %arg2[%get3A, %get3A_0, %get3A_1] : memref<1x256x32xf32, #tpu.memory_space<vmem>>, vector<1x256x32xf32>
    %get3A_3 = vector.shape_cast %get3A_2 : vector<1x256x32xf32> to vector<256x32xf32>
    %get3A_4 = arith.constant 0 : index
    %get3A_5 = arith.constant 0 : index
    %get3A_6 = vector.load %arg4[%get3A_4, %get3A_5] : memref<32x32xf32, #tpu.memory_space<vmem>>, vector<32x32xf32>
    %dot_general3A = arith.constant dense<0.000000e+00> : vector<256x32xf32>
    %dot_general3A_7 = tpu.matmul %get3A_3, %get3A_6, %dot_general3A {dimension_numbers = #tpu.dot_dimension_numbers<[1], [0], [0], [1], [0, 0, 1, 1], [], []>, transpose_lhs_hint = false} : vector<256x32xf32>, vector<32x32xf32>, vector<256x32xf32> -> vector<256x32xf32>
    %get3A_8 = arith.constant 0 : index
    %get3A_9 = arith.constant 0 : index
    %get3A_10 = arith.constant 0 : index
    %get3A_11 = vector.load %arg3[%get3A_8, %get3A_9, %get3A_10] : memref<1x256x512xf32, #tpu.memory_space<vmem>>, vector<1x256x512xf32>
    %get3A_12 = vector.shape_cast %get3A_11 : vector<1x256x512xf32> to vector<256x512xf32>
    %get3A_13 = arith.constant 0 : index
    %get3A_14 = arith.constant 0 : index
    %get3A_15 = vector.load %arg5[%get3A_13, %get3A_14] : memref<512x32xf32, #tpu.memory_space<vmem>>, vector<512x32xf32>
    %dot_general3A_16 = arith.constant dense<0.000000e+00> : vector<256x32xf32>
    %dot_general3A_17 = tpu.matmul %get3A_12, %get3A_15, %dot_general3A_16 {dimension_numbers = #tpu.dot_dimension_numbers<[1], [0], [0], [1], [0, 0, 1, 1], [], []>, transpose_lhs_hint = false} : vector<256x512xf32>, vector<512x32xf32>, vector<256x32xf32> -> vector<256x32xf32>
    %add3A = arith.addf %dot_general3A_7, %dot_general3A_17 : vector<256x32xf32>
    %get3A_18 = arith.constant 0 : index
    %get3A_19 = arith.constant 0 : index
    %get3A_20 = vector.load %arg6[%get3A_18, %get3A_19] : memref<1x32xf32, #tpu.memory_space<vmem>>, vector<1x32xf32>
    %add3A_21 = vector.broadcast %get3A_20 : vector<1x32xf32> to vector<256x32xf32>
    %add3A_22 = arith.addf %add3A, %add3A_21 : vector<256x32xf32>
    %swap3A = arith.constant 0 : index
    %swap3A_23 = arith.constant 0 : index
    %swap3A_24 = arith.constant 0 : index
    %swap3A_25 = vector.load %arg7[%swap3A, %swap3A_23, %swap3A_24] : memref<1x256x32xf32, #tpu.memory_space<vmem>>, vector<1x256x32xf32>
    %swap3A_26 = vector.shape_cast %swap3A_25 : vector<1x256x32xf32> to vector<256x32xf32>
    %swap3A_27 = vector.shape_cast %add3A_22 : vector<256x32xf32> to vector<1x256x32xf32>
    tpu.vector_store %arg7[%swap3A, %swap3A_23, %swap3A_24], %swap3A_27 {strides = array<i32>} : memref<1x256x32xf32, #tpu.memory_space<vmem>>, vector<1x256x32xf32>,
    %reduce_sum3A = arith.constant dense<0.000000e+00> : vector<32xf32>
    %reduce_sum3A_28 = vector.multi_reduction <add>, %add3A_22, %reduce_sum3A [0] : vector<256x32xf32> to vector<32xf32>
    %broadcast_in_dim3A = vector.shape_cast %reduce_sum3A_28 : vector<32xf32> to vector<1x32xf32>
    %mul3A = arith.mulf %add3A_22, %add3A_22 : vector<256x32xf32>
    %reduce_sum3A_29 = arith.constant dense<0.000000e+00> : vector<32xf32>
    %reduce_sum3A_30 = vector.multi_reduction <add>, %mul3A, %reduce_sum3A_29 [0] : vector<256x32xf32> to vector<32xf32>
    %broadcast_in_dim3A_31 = vector.shape_cast %reduce_sum3A_30 : vector<32xf32> to vector<1x32xf32>
    %concatenate3A = tpu.concatenate %broadcast_in_dim3A, %broadcast_in_dim3A_31 in 0 : vector<1x32xf32>, vector<1x32xf32> -> vector<2x32xf32>
    %eq3A = arith.constant 0 : i32
    %eq3A_32 = arith.cmpi eq, %arg0, %eq3A : i32
    %eq3A_33 = arith.constant 0 : i32
    %eq3A_34 = arith.cmpi eq, %arg1, %eq3A_33 : i32
    %and3A = arith.andi %eq3A_32, %eq3A_34 : i1
    %convert_element_type3A = arith.extui %and3A : i1 to i32
    %cond3A = arith.constant 0 : i32
    %cond3A_35 = arith.cmpi ne, %convert_element_type3A, %cond3A : i32
    scf.if %cond3A_35 {
      %swap3A_40 = arith.constant 0 : index
      %swap3A_41 = arith.constant 0 : index
      %swap3A_42 = vector.load %arg8[%swap3A_40, %swap3A_41] : memref<2x32xf32, #tpu.memory_space<vmem>>, vector<2x32xf32>
      tpu.vector_store %arg8[%swap3A_40, %swap3A_41], %concatenate3A {strides = array<i32>} : memref<2x32xf32, #tpu.memory_space<vmem>>, vector<2x32xf32>,
    } else {
    }
    %not3A = arith.constant true
    %not3A_36 = arith.xori %and3A, %not3A : i1
    %convert_element_type3A_37 = arith.extui %not3A_36 : i1 to i32
    %cond3A_38 = arith.constant 0 : i32
    %cond3A_39 = arith.cmpi ne, %convert_element_type3A_37, %cond3A_38 : i32
    scf.if %cond3A_39 {
      %get3A_40 = arith.constant 0 : index
      %get3A_41 = arith.constant 0 : index
      %get3A_42 = vector.load %arg8[%get3A_40, %get3A_41] : memref<2x32xf32, #tpu.memory_space<vmem>>, vector<2x32xf32>
      %add3A_43 = arith.addf %get3A_42, %concatenate3A : vector<2x32xf32>
      %swap3A_44 = arith.constant 0 : index
      %swap3A_45 = arith.constant 0 : index
      %swap3A_46 = vector.load %arg8[%swap3A_44, %swap3A_45] : memref<2x32xf32, #tpu.memory_space<vmem>>, vector<2x32xf32>
      tpu.vector_store %arg8[%swap3A_44, %swap3A_45], %add3A_43 {strides = array<i32>} : memref<2x32xf32, #tpu.memory_space<vmem>>, vector<2x32xf32>,
    } else {
    }
    return
  }
  func.func @transform_0(%arg0: i32, %arg1: i32) -> (i32, i32, i32) {
    %c0_i32 = arith.constant 0 : i32
    %c0_i32_0 = arith.constant 0 : i32
    return %arg0, %arg1, %c0_i32 : i32, i32, i32
  }
  func.func @transform_1(%arg0: i32, %arg1: i32) -> (i32, i32, i32) {
    %c0_i32 = arith.constant 0 : i32
    %c0_i32_0 = arith.constant 0 : i32
    return %arg0, %arg1, %c0_i32 : i32, i32, i32
  }
  func.func @transform_2(%arg0: i32, %arg1: i32) -> (i32, i32) {
    %c0_i32 = arith.constant 0 : i32
    %c0_i32_0 = arith.constant 0 : i32
    %c0_i32_1 = arith.constant 0 : i32
    return %c0_i32, %c0_i32_0 : i32, i32
  }
  func.func @transform_3(%arg0: i32, %arg1: i32) -> (i32, i32) {
    %c0_i32 = arith.constant 0 : i32
    %c0_i32_0 = arith.constant 0 : i32
    %c0_i32_1 = arith.constant 0 : i32
    return %c0_i32, %c0_i32_0 : i32, i32
  }
  func.func @transform_4(%arg0: i32, %arg1: i32) -> (i32, i32) {
    %c0_i32 = arith.constant 0 : i32
    %c0_i32_0 = arith.constant 0 : i32
    %c0_i32_1 = arith.constant 0 : i32
    return %c0_i32, %c0_i32_0 : i32, i32
  }
  func.func @transform_5(%arg0: i32, %arg1: i32) -> (i32, i32, i32) {
    %c0_i32 = arith.constant 0 : i32
    %c0_i32_0 = arith.constant 0 : i32
    return %arg0, %arg1, %c0_i32 : i32, i32, i32
  }
  func.func @transform_6(%arg0: i32, %arg1: i32) -> (i32, i32) {
    %c0_i32 = arith.constant 0 : i32
    %c0_i32_0 = arith.constant 0 : i32
    %c0_i32_1 = arith.constant 0 : i32
    return %c0_i32, %c0_i32_0 : i32, i32
  }
}

module attributes {stable_mosaic.version = 14 : i64} {
  func.func @_norm_body(%arg0: i32, %arg1: i32, %arg2: memref<1x512x32xf32, #tpu.memory_space<vmem>>, %arg3: memref<1x32xf32, #tpu.memory_space<vmem>>, %arg4: memref<1x32xf32, #tpu.memory_space<vmem>>, %arg5: memref<1x32x512xf32, #tpu.memory_space<vmem>>) attributes {dimension_semantics = [#tpu.dimension_semantics<parallel>, #tpu.dimension_semantics<parallel>], iteration_bounds = array<i64: 4, 8>, scalar_prefetch = 0 : i64, scratch_operands = 0 : i64, tpu.core_type = #tpu.core_type<tc>, window_params = [{transform_indices = @transform_0, window_bounds = array<i64: 1, 512, 32>}, {pipeline_mode = #tpu.pipeline_mode<synchronous>, transform_indices = @transform_1, window_bounds = array<i64: 1, 32>}, {pipeline_mode = #tpu.pipeline_mode<synchronous>, transform_indices = @transform_2, window_bounds = array<i64: 1, 32>}, {transform_indices = @transform_3, window_bounds = array<i64: 1, 32, 512>}]} {
    %get3A = arith.constant 0 : index
    %get3A_0 = arith.constant 0 : index
    %get3A_1 = arith.constant 0 : index
    %get3A_2 = vector.load %arg2[%get3A, %get3A_0, %get3A_1] : memref<1x512x32xf32, #tpu.memory_space<vmem>>, vector<1x512x32xf32>
    %get3A_3 = vector.shape_cast %get3A_2 : vector<1x512x32xf32> to vector<512x32xf32>
    %get3A_4 = arith.constant 0 : index
    %get3A_5 = arith.constant 0 : index
    %get3A_6 = vector.load %arg3[%get3A_4, %get3A_5] : memref<1x32xf32, #tpu.memory_space<vmem>>, vector<1x32xf32>
    %mul3A = vector.broadcast %get3A_6 : vector<1x32xf32> to vector<512x32xf32>
    %mul3A_7 = arith.mulf %get3A_3, %mul3A : vector<512x32xf32>
    %get3A_8 = arith.constant 0 : index
    %get3A_9 = arith.constant 0 : index
    %get3A_10 = vector.load %arg4[%get3A_8, %get3A_9] : memref<1x32xf32, #tpu.memory_space<vmem>>, vector<1x32xf32>
    %add3A = vector.broadcast %get3A_10 : vector<1x32xf32> to vector<512x32xf32>
    %add3A_11 = arith.addf %mul3A_7, %add3A : vector<512x32xf32>
    %ge3A = arith.constant 0.000000e+00 : f32
    %ge3A_12 = vector.broadcast %ge3A : f32 to vector<512x32xf32>
    %ge3A_13 = arith.cmpf oge, %add3A_11, %ge3A_12 : vector<512x32xf32>
    %mul3A_14 = arith.constant 2.000000e-01 : f32
    %mul3A_15 = vector.broadcast %mul3A_14 : f32 to vector<512x32xf32>
    %mul3A_16 = arith.mulf %mul3A_15, %add3A_11 : vector<512x32xf32>
    %select_n3A = arith.select %ge3A_13, %add3A_11, %mul3A_16 : vector<512x32xi1>, vector<512x32xf32>
    %transpose3A = tpu.transpose %select_n3A, [1, 0] : vector<512x32xf32> -> vector<32x512xf32>
    %swap3A = arith.constant 0 : index
    %swap3A_17 = arith.constant 0 : index
    %swap3A_18 = arith.constant 0 : index
    %swap3A_19 = vector.load %arg5[%swap3A, %swap3A_17, %swap3A_18] : memref<1x32x512xf32, #tpu.memory_space<vmem>>, vector<1x32x512xf32>
    %swap3A_20 = vector.shape_cast %swap3A_19 : vector<1x32x512xf32> to vector<32x512xf32>
    %swap3A_21 = vector.shape_cast %transpose3A : vector<32x512xf32> to vector<1x32x512xf32>
    tpu.vector_store %arg5[%swap3A, %swap3A_17, %swap3A_18], %swap3A_21 {strides = array<i32>} : memref<1x32x512xf32, #tpu.memory_space<vmem>>, vector<1x32x512xf32>,
    return
  }
  func.func @transform_0(%arg0: i32, %arg1: i32) -> (i32, i32, i32) {
    %c0_i32 = arith.constant 0 : i32
    %c0_i32_0 = arith.constant 0 : i32
    return %arg0, %arg1, %c0_i32 : i32, i32, i32
  }
  func.func @transform_1(%arg0: i32, %arg1: i32) -> (i32, i32) {
    %c0_i32 = arith.constant 0 : i32
    %c0_i32_0 = arith.constant 0 : i32
    %c0_i32_1 = arith.constant 0 : i32
    return %c0_i32, %c0_i32_0 : i32, i32
  }
  func.func @transform_2(%arg0: i32, %arg1: i32) -> (i32, i32) {
    %c0_i32 = arith.constant 0 : i32
    %c0_i32_0 = arith.constant 0 : i32
    %c0_i32_1 = arith.constant 0 : i32
    return %c0_i32, %c0_i32_0 : i32, i32
  }
  func.func @transform_3(%arg0: i32, %arg1: i32) -> (i32, i32, i32) {
    %c0_i32 = arith.constant 0 : i32
    %c0_i32_0 = arith.constant 0 : i32
    return %arg0, %c0_i32, %arg1 : i32, i32, i32
  }
}

</mosaic_0001>

<sc_bundles>
// kernel: kernel.6.cloned.1.call-start
scs
__scs_entry_jumppad:
0x0: {  	(pc) =	sbr.rel $0x88, $3  }
0x1: {  	(tag) =	ssettag $0x0;
	lr =	simm.s32 $0x1  }
0x2: {  	[smem:$0x3F9C] =	sst lr;
	_ =	strace $0xD0000000  }
0x3: {  	_ = 	snop  }
0x4: {  	_ = 	snop  }
0x5: {  	_ = 	snop  }
0x6: {  	_ = 	snop  }
0x7: {  	_ = 	snop  }
__scs_overlays_trampoline_lowered:
0x8: {  	[smem:$0x3FAB] =	sst s0  }
0x9: {  	[smem:$0x3FAC] =	sst s1  }
0xa: {  	[smem:$0x3FAD] =	sst s2  }
0xb: {  	[smem:$0x3FAE] =	sst s3  }
0xc: {  	[smem:$0x3FAF] =	sst s4  }
0xd: {  	[smem:$0x3FB0] =	sst s5  }
0xe: {  	[smem:$0x3FB1] =	sst s6  }
0xf: {  	[smem:$0x3FB2] =	sst s7  }
0x10: {  	[smem:$0x3FB3] =	sst s8  }
0x11: {  	[smem:$0x3FB4] =	sst s9;
	s0 =	simm.s32 @!p0 $0x0  }
0x12: {  	s1 =	sld [smem:$0x3F9A];
	s0 =	simm.s32 @p0 $0x1  }
0x13: {  	[smem:$0x3FB5] =	sst s0;
	s0 =	simm.s32 @!p1 $0x0  }
0x14: {  	s2 =	sld [smem:$0x3F99];
	s0 =	simm.s32 @p1 $0x1  }
0x15: {  	[smem:$0x3FB6] =	sst s0;
	s0 =	simm.s32 @!p2 $0x0  }
0x16: {  	s3 =	sld [smem:$0x3FDB];
	s0 =	simm.s32 @p2 $0x1  }
0x17: {  	s4 =	simm.s32 $0x1BF5;
	[smem:$0x3FB8] =	sst s0  }
0x18: {  	s0 =	sld [smem:$0x3F9B];
	_ =	swait.ge [sflag:s4], $0x0  }
0x19: {  	s7 =	sld [smem:$0x3F9C]  }
0x1a: {  	s8 =	sadd.s32 $0xFFFFE003, lr  }
0x1b: {  	s9 =	sadd.s32 $0xFFFFFEF7, lr;
	s5 =	simm.s32 $0xFFFFFFFF;
	p2 =	slt.u32 s8, $0xFFFFF086  }
0x1c: {  	p1 =	slt.u32 s9, $0xF7A;
	s5 =	simm.s32 @!p2 $0x0  }
0x1d: {  	s5 =	simm.s32 @p1 $0x1;
	p0 =	seq.s32 s7, s2  }
0x1e: {  	s7 =	smul.u32 @!p0 $0xF7A, s2;
	p2 =	seq.s32 @!p0 s5, $0x0  }
0x1f: {  	s9 =	smul.u32 $0xF7A, s1;
	s8 =	simm.s32 @!p0 $0x1BF5;
	p2 =	por !p2, p0  }
0x20: {  	[sflag:s8] =	ssyncset.s32 @!p0 $0xFFFFF086;
	s6 =	sadd.s32 @!p0 s3, s7;
	s7 =	simm.s32 @!p0 $0x108  }
0x21: {  	s3 =	sadd.s32 s3, s9;
	s6 =	sadd.s32 @!p0 $0x88, s6;
	s7 =	simm.s32 @p2 $0x1082  }
0x22: {  	[simem:s7], [sflag:s8] =	dma.local @!p0 [hbm:s6], $0xF7A  }
0x23: {  	s9 =	sor.u32 $0xD0000000, s2;
	s6 =	simm.s32 $0x108;
	_ =	swait.ge @!p0 [sflag:s8], $0x0  }
0x24: {  	s3 =	sadd.s32 $0x88, s3;
	s6 =	simm.s32 @!p1 $0x1082;
	[sflag:s4] =	ssyncset.s32 $0xFFFFF086  }
0x25: {  	[simem:s6], [sflag:s4] =	dma.local [hbm:s3], $0xF7A  }
0x26: {  	[smem:$0x3F9C] =	sst s1;
	(tag) =	ssettag s2;
	_ =	strace s9  }
0x27: {  	s1 =	sld [smem:$0x3FAC]  }
0x28: {  	s2 =	sld [smem:$0x3FAD]  }
0x29: {  	s4 =	sld [smem:$0x3FAF]  }
0x2a: {  	p0 =	seq.s32 s5, $0x0;
	s5 =	sld [smem:$0x3FB0]  }
0x2b: {  	s6 =	sld [smem:$0x3FB1]  }
0x2c: {  	s7 =	sld [smem:$0x3FB2]  }
0x2d: {  	s3 =	simm.s32 $0x108;
	s8 =	sld [smem:$0x3FB3]  }
0x2e: {  	s3 =	simm.s32 @!p0 $0x1082;
	s9 =	sld [smem:$0x3FB4]  }
0x2f: {  	lr =	sadd.s32 s0, s3;
	s0 =	sld [smem:$0x3FAB]  }
0x30: {  	s3 =	sld [smem:$0x3FAE]  }
0x31: {  	[smem:$0x3FB7] =	sst s10  }
0x32: {  	s10 =	sld [smem:$0x3FB5];
	_ =	sdelay $0x3  }
0x33: {  	p0 =	seq.s32 s10, $0x1;
	s10 =	sld [smem:$0x3FB7];
	_ =	sdelay $0x3  }
0x34: {  	[smem:$0x3FB7] =	sst s10  }
0x35: {  	s10 =	sld [smem:$0x3FB6];
	_ =	sdelay $0x3  }
0x36: {  	p1 =	seq.s32 s10, $0x1;
	s10 =	sld [smem:$0x3FB7];
	_ =	sdelay $0x3  }
0x37: {  	[smem:$0x3FB7] =	sst s10  }
0x38: {  	s10 =	sld [smem:$0x3FB8]  }
0x39: {  	_ = 	snop;
	(pc) =	sbr.ind lr, $3  }
0x3a: {  	_ = 	snop  }
0x3b: {  	_ = 	snop  }
0x3c: {  	p2 =	seq.s32 s10, $0x1;
	s10 =	sld [smem:$0x3FB7]  }
0x3d: {  	_ =	shalt  }
0x3e: {  	_ =	shalt  }
0x3f: {  	_ =	shalt  }
0x40: {  	_ =	shalt  }
0x41: {  	_ =	shalt  }
0x42: {  	_ =	shalt  }
0x43: {  	_ =	shalt  }
0x44: {  	_ =	shalt  }
0x45: {  	_ =	shalt  }
0x46: {  	_ =	shalt  }
0x47: {  	_ =	shalt  }
0x48: {  	_ =	shalt  }
0x49: {  	_ =	shalt  }
0x4a: {  	_ =	shalt  }
0x4b: {  	_ =	shalt  }
0x4c: {  	_ =	shalt  }
0x4d: {  	_ =	shalt  }
0x4e: {  	_ =	shalt  }
0x4f: {  	_ =	shalt  }
0x50: {  	_ =	shalt  }
0x51: {  	_ =	shalt  }
0x52: {  	_ =	shalt  }
0x53: {  	_ =	shalt  }
0x54: {  	_ =	shalt  }
0x55: {  	_ =	shalt  }
0x56: {  	_ =	shalt  }
0x57: {  	_ =	shalt  }
0x58: {  	_ =	shalt  }
0x59: {  	_ =	shalt  }
0x5a: {  	_ =	shalt  }
0x5b: {  	_ =	shalt  }
0x5c: {  	_ =	shalt  }
0x5d: {  	_ =	shalt  }
0x5e: {  	_ =	shalt  }
0x5f: {  	_ =	shalt  }
0x60: {  	_ =	shalt  }
0x61: {  	_ =	shalt  }
0x62: {  	_ =	shalt  }
0x63: {  	_ =	shalt  }
0x64: {  	_ =	shalt  }
0x65: {  	_ =	shalt  }
0x66: {  	_ =	shalt  }
0x67: {  	_ =	shalt  }
0x68: {  	_ =	shalt  }
0x69: {  	_ =	shalt  }
0x6a: {  	_ =	shalt  }
0x6b: {  	_ =	shalt  }
0x6c: {  	_ =	shalt  }
0x6d: {  	_ =	shalt  }
0x6e: {  	_ =	shalt  }
0x6f: {  	_ =	shalt  }
0x70: {  	_ =	shalt  }
0x71: {  	_ =	shalt  }
0x72: {  	_ =	shalt  }
0x73: {  	_ =	shalt  }
0x74: {  	_ =	shalt  }
0x75: {  	_ =	shalt  }
0x76: {  	_ =	shalt  }
0x77: {  	_ =	shalt  }
0x78: {  	_ =	shalt  }
0x79: {  	_ =	shalt  }
0x7a: {  	_ =	shalt  }
0x7b: {  	_ =	shalt  }
0x7c: {  	_ =	shalt  }
0x7d: {  	_ =	shalt  }
0x7e: {  	_ =	shalt  }
0x7f: {  	_ =	shalt  }
0x80: {  	_ =	shalt  }
0x81: {  	_ =	shalt  }
0x82: {  	_ =	shalt  }
0x83: {  	_ =	shalt  }
0x84: {  	_ =	shalt  }
0x85: {  	_ =	shalt  }
0x86: {  	_ =	shalt  }
0x87: {  	_ =	shalt  }
.Lfunc_end0:
.L_simem_size_0:
called_computation_lowered:
.L_overlay_start_0:
0x88: {  	s2 =	sld [smem:$0x3FD9]  }
0x89: {  	s3 =	sld [smem:$0x3FFE];
	_ =	sdelay $0x1  }
0x8a: {  	s1 =	srdreg.scid  }
0x8b: {  	s0 =	sand.u32 $0x1, s1  }
0x8c: {  	s17 =	sshll.u32 s0, $0xA;
	s2 =	sadd.s32 s3, s2  }
0x8d: {  	s2 =	sadd.s32 s2, s17  }
0x8e: {  	[smem:$0x3FC3] =	sst s2  }
0x8f: {  	_ = 	snop  }
0x90: {  	s2 =	sld [smem:$0x3FD0];
	(tm) =	ssettm $0x1  }
0x91: {  	s18 =	sld [smem:$0x3FFB];
	_ =	sdelay $0x3  }
0x92: {  	_ =	strace s18  }
0x93: {  	s3 =	sld [smem:$0x3FFC];
	_ =	sdelay $0x3  }
0x94: {  	_ =	strace s3  }
0x95: {  	s3 =	sld [smem:$0x3FFD];
	_ =	sdelay $0x3  }
0x96: {  	_ =	strace s3  }
0x97: {  	_ =	strace $0x8FFFFFFF  }
0x98: {  	s19 =	sld [smem:$0x3FDB];
	_ =	sdelay $0x1  }
0x99: {  	s4 =	simm.s32 $_scs_section_size  }
0x9a: {  	s5 =	simm.s32 $_size__tile_overlayer_lowered;
	s6 =	simm.s32 $_tile_overlayer_lowered  }
0x9b: {  	s22 =	simm.s32 $0x1BFF;
	s21 =	sshll.u32 s6, $0x1;
	s3 =	sadd.s32 s4, s19  }
0x9c: {  	s7 =	simm.s32 $0x0;
	s20 =	sshll.u32 s5, $0x1;
	s5 =	sadd.s32 s21, s3  }
0x9d: {  	[timem:s7], [sflag:s22] =	dma.local [hbm:s5], s20  }
0x9e: {  	_ =	swait.ge [sflag:s22], s20  }
0x9f: {  	s4 =	ssub.s32 $0x0, s20;
	[sflag:s22] =	ssyncset.done $0x0  }
0xa0: {  	[sflag:s22] =	ssyncadd.s32 s4;
	_ =	sdelay $0x1  }
0xa1: {  	s23 =	simm.s32 $0x1B8B  }
0xa2: {  	_ =	swait.ge [sflag:s23], $0x1  }
0xa3: {  	[sflag:s23] =	ssyncset.done $0x0  }
0xa4: {  	s25 =	simm.s32 $0x1B8E;
	s24 =	sld [smem:$0x3FFE];
	[sflag:s23] =	ssyncadd.s32 $0xFFFFFFFF  }
0xa5: {  	s26 =	simm.s32 $execute0_lowered;
	[smem:$0x3FD2] =	sst s25  }
0xa6: {  	s5 =	sshll.u32 s26, $0x1;
	_ =	strace $0x80000046;
	[dreg:$0x1] =	wrdreg $0xFFFFFFFF  }
0xa7: {  	s28 =	simm.s32 $_size_execute0_lowered;
	s3 =	sadd.s32 s3, s5;
	[dreg:$0x0] =	wrdreg $0x0  }
0xa8: {  	s5 =	sshll.u32 s28, $0x1;
	[dreg:$0x2] =	wrdreg s3  }
0xa9: {  	[dreg:$0x3] =	wrdreg s5  }
0xaa: {  	[dreg:$0x4] =	wrdreg $0xC0  }
0xab: {  	_ =	task [dreg:s7], $0x5FFFF  }
0xac: {  	[dreg:$0x1] =	wrdreg $0xFFFFFFFF  }
0xad: {  	[dreg:$0x0] =	wrdreg $0x60  }
0xae: {  	[dreg:$0x2] =	wrdreg s2  }
0xaf: {  	[dreg:$0x3] =	wrdreg s24  }
0xb0: {  	[dreg:$0x4] =	wrdreg $0x9  }
0xb1: {  	_ =	task.clear_ibuf [dreg:s7], $0x5FFFF;
	_ =	strace $0x90000046  }
0xb2: {  	s29 =	simm.s32 $0x9;
	_ =	strace $0x80000048  }
0xb3: {  	_ =	swait.ge [sflag:s29], $0x1  }
0xb4: {  	[sflag:s29] =	ssyncadd.s32 $0xFFFFFFFF  }
0xb5: {  	_ =	strace $0x90000048  }
0xb6: {  	_ =	sfence  }
0xb7: {  	s30 =	sld [smem:$0x0];
	_ =	sdelay $0x2  }
0xb8: {  	s31 =	sshll.u32 s1, $0xD;
	s1 =	sshrl.u32 s1, $0x2  }
0xb9: {  	s3 =	sand.u32 $0x4000, s31;
	s1 =	sadd.s32 s1, s30  }
0xba: {  	s0 =	sor.u32 s3, s0;
	s1 =	sshll.u32 s1, $0x11  }
0xbb: {  	s0 =	sor.u32 s1, s0  }
0xbc: {  	s0 =	sadd.s32 $0x8F2B, s0  }
0xbd: {  	[sflag:s0] =	ssyncadd.remote.s32 $0x1  }
0xbe: {  	_ =	sfence.sel $0xFFFF  }
0xbf: {  	[dreg:$0x0] =	wrdreg $0xFFFFFFFF;
	(pc) =	sbr.abs _section_cstart, $3  }
0xc0: {  	[dreg:$0x1] =	wrdreg $0xFFFFFFFF  }
0xc1: {  	_ =	task.clear_ibuf [dreg:s7], $0x2FFFF;
	_ =	strace $0x9FFFFFFF  }
0xc2: {  	(tm) =	ssettm $0x7FFFFFFF  }
0xc3: {  	_ =	shalt  }
tec
execute0_lowered:
.L_overlay_start_1:
0x0: {  	(tag) =	ssettag $0x1  }
0x1: {  	s1 =	srdreg.scid  }
0x2: {  	s2 =	rddreg [dreg:$0x0];
	s0 =	stileid.u32;
	s14 =	sand.u32 $0x1, s1  }
0x3: {  	s8 =	rddreg [dreg:$0x1];
	s4 =	sshll.u32 s0, $0xE;
	s5 =	sshll.u32 s14, $0xD  }
0x4: {  	s3 =	simm.s32 $0x0;
	s1 =	rddreg [dreg:$0x2];
	s13 =	sor.u32 s5, s4  }
0x5: {  	[smem:$0x7FF] =	sst s3;
	s15 =	sadd.s32 $0xE00, s8;
	s4 =	sshrl.u32 s13, $0x3  }
0x6: {  	_ =	strace $0x80000047;
	s5 =	sadd.s32 s15, s4;
	s4 =	simm.s32 $0x2  }
0x7: {  	[tilespmem:s3], [sflag:$0x2] =	stream.linear.gather [hbm4b:s5+s3], $0x800, $0x38;
	[tilespmem:$0x10800] =	vst v63  }
0x8: {  	_ =	swait.ge [sflag:s4], $0x800  }
0x9: {  	[sflag:s4] =	ssyncset.done $0x0  }
0xa: {  	s6 =	simm.s32 $0x800;
	s7 =	simm.s32 $0x1;
	[sflag:s4] =	ssyncadd.s32 $0xFFFFF800  }
0xb: {  	[tilespmem:s6], [sflag:$0x1] =	stream.indirect.gather [hbm4b:s2+s6], $0x20, s3, s6, $0xb8;
	[tilespmem:$0x10800] =	vst v63  }
0xc: {  	_ =	swait.ge [sflag:s7], $0x10000  }
0xd: {  	s16 =	sadd.s32 $0x8E00, s8;
	s29 =	sshll.u32 s13, $0x2;
	[sflag:s7] =	ssyncset.done $0x0  }
0xe: {  	s8 =	sadd.s32 s16, s29;
	[sflag:s7] =	ssyncadd.s32 $0xFFFF0000  }
0xf: {  	[hbm4b:s8+s3] =	stream.linear.scatter [tilespmem:s6], [sflag:$0x2], $0x10000, $0x38;
	[tilespmem:$0x10800] =	vst v63  }
0x10: {  	s10 =	sor.u32 $0x800, s13;
	_ =	swait.ge [sflag:s4], $0x10000  }
0x11: {  	s9 =	sshrl.u32 s10, $0x3;
	[sflag:s4] =	ssyncset.done $0x0  }
0x12: {  	s9 =	sadd.s32 s15, s9;
	[sflag:s4] =	ssyncadd.s32 $0xFFFF0000  }
0x13: {  	[tilespmem:s3], [sflag:$0x2] =	stream.linear.gather [hbm4b:s9+s3], $0x800, $0x38;
	[tilespmem:$0x10800] =	vst v63  }
0x14: {  	_ =	swait.ge [sflag:s4], $0x800  }
0x15: {  	[sflag:s4] =	ssyncset.done $0x0  }
0x16: {  	[sflag:s4] =	ssyncadd.s32 $0xFFFFF800  }
0x17: {  	[tilespmem:s6], [sflag:$0x1] =	stream.indirect.gather [hbm4b:s2+s6], $0x20, s3, s6, $0xb8;
	[tilespmem:$0x10800] =	vst v63  }
0x18: {  	_ =	swait.ge [sflag:s7], $0x10000  }
0x19: {  	s10 =	sshll.u32 s10, $0x2;
	[sflag:s7] =	ssyncset.done $0x0  }
0x1a: {  	s10 =	sadd.s32 s16, s10;
	[sflag:s7] =	ssyncadd.s32 $0xFFFF0000  }
0x1b: {  	[hbm4b:s10+s3] =	stream.linear.scatter [tilespmem:s6], [sflag:$0x2], $0x10000, $0x38;
	[tilespmem:$0x10800] =	vst v63  }
0x1c: {  	s12 =	sor.u32 $0x1000, s13;
	_ =	swait.ge [sflag:s4], $0x10000  }
0x1d: {  	s11 =	sshrl.u32 s12, $0x3;
	[sflag:s4] =	ssyncset.done $0x0  }
0x1e: {  	s11 =	sadd.s32 s15, s11;
	[sflag:s4] =	ssyncadd.s32 $0xFFFF0000  }
0x1f: {  	[tilespmem:s3], [sflag:$0x2] =	stream.linear.gather [hbm4b:s11+s3], $0x800, $0x38;
	[tilespmem:$0x10800] =	vst v63  }
0x20: {  	_ =	swait.ge [sflag:s4], $0x800  }
0x21: {  	[sflag:s4] =	ssyncset.done $0x0  }
0x22: {  	[sflag:s4] =	ssyncadd.s32 $0xFFFFF800  }
0x23: {  	[tilespmem:s6], [sflag:$0x1] =	stream.indirect.gather [hbm4b:s2+s6], $0x20, s3, s6, $0xb8;
	[tilespmem:$0x10800] =	vst v63  }
0x24: {  	_ =	swait.ge [sflag:s7], $0x10000  }
0x25: {  	s12 =	sshll.u32 s12, $0x2;
	[sflag:s7] =	ssyncset.done $0x0  }
0x26: {  	s12 =	sadd.s32 s16, s12;
	[sflag:s7] =	ssyncadd.s32 $0xFFFF0000  }
0x27: {  	[hbm4b:s12+s3] =	stream.linear.scatter [tilespmem:s6], [sflag:$0x2], $0x10000, $0x38;
	[tilespmem:$0x10800] =	vst v63  }
0x28: {  	s17 =	sor.u32 $0x1800, s13;
	_ =	swait.ge [sflag:s4], $0x10000  }
0x29: {  	s13 =	sshrl.u32 s17, $0x3;
	[sflag:s4] =	ssyncset.done $0x0  }
0x2a: {  	s14 =	ssub.s32 $0x2, s14;
	s13 =	sadd.s32 s15, s13;
	[sflag:s4] =	ssyncadd.s32 $0xFFFF0000  }
0x2b: {  	[tilespmem:s3], [sflag:$0x2] =	stream.linear.gather [hbm4b:s13+s3], $0x800, $0x38;
	[tilespmem:$0x10800] =	vst v63  }
0x2c: {  	s30 =	sshrl.u32 s14, $0x1;
	_ =	swait.ge [sflag:s4], $0x800  }
0x2d: {  	s15 =	ssub.s32 s14, s30;
	[sflag:s4] =	ssyncset.done $0x0  }
0x2e: {  	s15 =	smax.u32 s15, $0x1;
	[sflag:s4] =	ssyncadd.s32 $0xFFFFF800  }
0x2f: {  	[tilespmem:s6], [sflag:$0x1] =	stream.indirect.gather [hbm4b:s2+s6], $0x20, s3, s6, $0xb8;
	[tilespmem:$0x10800] =	vst v63  }
0x30: {  	p0 =	sne.s32 s15, $0x1;
	_ =	swait.ge [sflag:s7], $0x10000  }
.Ltmp0:
0x31: {  	s31 =	sshll.u32 s17, $0x2;
	[sflag:s7] =	ssyncset.done $0x0;
	(pc) =	sbr.rel @!p0 .LBB2_2-.Ltmp0, $4  }
0x32: {  	s14 =	sadd.s32 s16, s31;
	[sflag:s7] =	ssyncadd.s32 $0xFFFF0000  }
0x33: {  	[hbm4b:s14+s3] =	stream.linear.scatter [tilespmem:s6], [sflag:$0x2], $0x10000, $0x38;
	[tilespmem:$0x10800] =	vst v63  }
0x34: {  	_ =	swait.ge [sflag:s4], $0x10000  }
0x35: {  	s15 =	sadd.s32 $0xFFFFFFFF, s15;
	[sflag:s4] =	ssyncset.done $0x0  }
.LBB2_1:
0x36: {  	p0 =	sne.s32 s15, $0x1;
	s15 =	sadd.s32 $0xFFFFFFFF, s15;
	[sflag:s4] =	ssyncadd.s32 $0xFFFF0000  }
0x37: {  	[tilespmem:s3], [sflag:$0x2] =	stream.linear.gather [hbm4b:s5+s3], $0x800, $0x38;
	[tilespmem:$0x10800] =	vst v63  }
0x38: {  	_ =	swait.ge [sflag:s4], $0x800  }
0x39: {  	[sflag:s4] =	ssyncset.done $0x0  }
0x3a: {  	[sflag:s4] =	ssyncadd.s32 $0xFFFFF800  }
0x3b: {  	[tilespmem:s6], [sflag:$0x1] =	stream.indirect.gather [hbm4b:s2+s6], $0x20, s3, s6, $0xb8;
	[tilespmem:$0x10800] =	vst v63  }
0x3c: {  	_ =	swait.ge [sflag:s7], $0x10000  }
0x3d: {  	[sflag:s7] =	ssyncset.done $0x0  }
0x3e: {  	[sflag:s7] =	ssyncadd.s32 $0xFFFF0000  }
0x3f: {  	[hbm4b:s8+s3] =	stream.linear.scatter [tilespmem:s6], [sflag:$0x2], $0x10000, $0x38;
	[tilespmem:$0x10800] =	vst v63  }
0x40: {  	_ =	swait.ge [sflag:s4], $0x10000  }
0x41: {  	[sflag:s4] =	ssyncset.done $0x0  }
0x42: {  	[sflag:s4] =	ssyncadd.s32 $0xFFFF0000  }
0x43: {  	[tilespmem:s3], [sflag:$0x2] =	stream.linear.gather [hbm4b:s9+s3], $0x800, $0x38;
	[tilespmem:$0x10800] =	vst v63  }
0x44: {  	_ =	swait.ge [sflag:s4], $0x800  }
0x45: {  	[sflag:s4] =	ssyncset.done $0x0  }
0x46: {  	[sflag:s4] =	ssyncadd.s32 $0xFFFFF800  }
0x47: {  	[tilespmem:s6], [sflag:$0x1] =	stream.indirect.gather [hbm4b:s2+s6], $0x20, s3, s6, $0xb8;
	[tilespmem:$0x10800] =	vst v63  }
0x48: {  	_ =	swait.ge [sflag:s7], $0x10000  }
0x49: {  	[sflag:s7] =	ssyncset.done $0x0  }
0x4a: {  	[sflag:s7] =	ssyncadd.s32 $0xFFFF0000  }
0x4b: {  	[hbm4b:s10+s3] =	stream.linear.scatter [tilespmem:s6], [sflag:$0x2], $0x10000, $0x38;
	[tilespmem:$0x10800] =	vst v63  }
0x4c: {  	_ =	swait.ge [sflag:s4], $0x10000  }
0x4d: {  	[sflag:s4] =	ssyncset.done $0x0  }
0x4e: {  	[sflag:s4] =	ssyncadd.s32 $0xFFFF0000  }
0x4f: {  	[tilespmem:s3], [sflag:$0x2] =	stream.linear.gather [hbm4b:s11+s3], $0x800, $0x38;
	[tilespmem:$0x10800] =	vst v63  }
0x50: {  	_ =	swait.ge [sflag:s4], $0x800  }
0x51: {  	[sflag:s4] =	ssyncset.done $0x0  }
0x52: {  	[sflag:s4] =	ssyncadd.s32 $0xFFFFF800  }
0x53: {  	[tilespmem:s6], [sflag:$0x1] =	stream.indirect.gather [hbm4b:s2+s6], $0x20, s3, s6, $0xb8;
	[tilespmem:$0x10800] =	vst v63  }
0x54: {  	_ =	swait.ge [sflag:s7], $0x10000  }
0x55: {  	[sflag:s7] =	ssyncset.done $0x0  }
0x56: {  	[sflag:s7] =	ssyncadd.s32 $0xFFFF0000  }
0x57: {  	[hbm4b:s12+s3] =	stream.linear.scatter [tilespmem:s6], [sflag:$0x2], $0x10000, $0x38;
	[tilespmem:$0x10800] =	vst v63  }
0x58: {  	_ =	swait.ge [sflag:s4], $0x10000  }
0x59: {  	[sflag:s4] =	ssyncset.done $0x0  }
0x5a: {  	[sflag:s4] =	ssyncadd.s32 $0xFFFF0000  }
0x5b: {  	[tilespmem:s3], [sflag:$0x2] =	stream.linear.gather [hbm4b:s13+s3], $0x800, $0x38;
	[tilespmem:$0x10800] =	vst v63  }
0x5c: {  	_ =	swait.ge [sflag:s4], $0x800  }
0x5d: {  	[sflag:s4] =	ssyncset.done $0x0  }
0x5e: {  	[sflag:s4] =	ssyncadd.s32 $0xFFFFF800  }
0x5f: {  	[tilespmem:s6], [sflag:$0x1] =	stream.indirect.gather [hbm4b:s2+s6], $0x20, s3, s6, $0xb8;
	[tilespmem:$0x10800] =	vst v63  }
0x60: {  	_ =	swait.ge [sflag:s7], $0x10000  }
.Ltmp1:
0x61: {  	[sflag:s7] =	ssyncset.done $0x0;
	(pc) =	sbr.rel @p0 .LBB2_1-.Ltmp1, $4  }
0x62: {  	[sflag:s7] =	ssyncadd.s32 $0xFFFF0000  }
0x63: {  	[hbm4b:s14+s3] =	stream.linear.scatter [tilespmem:s6], [sflag:$0x2], $0x10000, $0x38;
	[tilespmem:$0x10800] =	vst v63  }
0x64: {  	_ =	swait.ge [sflag:s4], $0x10000  }
0x65: {  	[sflag:s4] =	ssyncset.done $0x0  }
.LBB2_2:
0x66: {  	[sflag:s4] =	ssyncadd.s32 $0xFFFF0000  }
0x67: {  	_ =	sfence.sel $0x180000  }
0x68: {  	[bflag:$0x0] =	sbarrier.arrive $0xFFFF  }
0x69: {  	p0 =	sne.s32 s0, $0x0;
	_ =	strace $0x90000047  }
0x6a: {  	s0 =	sadd.s32 @!p0 $0x100000, s1;
	[bflag:$0x2] =	sbarrier.arrive $0xFFFF  }
0x6b: {  	[sflag:s0] =	ssyncadd.tile.s32 @!p0 $0x1;
	_ =	shalt  }
.Lfunc_end2:
_tile_overlayer_lowered:
.L_overlay_start_2:
0x6c: {  	(tag) =	ssettag $0x2  }
0x6d: {  	s0 =	rddreg [dreg:$0x0];
	s2 =	stileid.u32  }
0x6e: {  	s1 =	rddreg [dreg:$0x1];
	p0 =	sne.s32 s2, $0x0  }
0x6f: {  	s3 =	rddreg [dreg:$0x2];
	[bflag:$0x3] =	sbarrier.arrive $0xFFFF;
	s2 =	simm.s32 @!p0 $0x1C02  }
0x70: {  	[timem:s3], [sflag:s2] =	dma.local @!p0 [hbm:s0], s1  }
0x71: {  	s0 =	simm.s32 @!p0 $0x2  }
0x72: {  	_ =	swait.ge @!p0 [sflag:s0], s1  }
0x73: {  	s1 =	ssub.s32 @!p0 $0x0, s1;
	[sflag:s0] =	ssyncset.done @!p0 $0x0  }
0x74: {  	[sflag:s0] =	ssyncadd.s32 @!p0 s1  }
0x75: {  	[bflag:$0x3] =	sbarrier.arrive $0xFFFF  }
0x76: {  	_ =	shalt  }

</sc_bundles>
